<compile_context>
chip_gen: v7x
topology: tpu7x:2x2x1
jax: 0.10.2.dev20260603
libtpu: 0.0.44.dev20260713+nightly
codegen_flags: <defaults>
</compile_context>

<pallas_src>
import jax
import jax.numpy as jnp
from jax import lax
from jax.experimental import pallas as pl
from jax.experimental.pallas import tpu as pltpu
from jax.experimental.pallas import tpu_sc as plsc

N = 10000
E = 320000
D = 128
C = 64

NCORE = 2
NSUB = 16
NW = NCORE * NSUB
EPT = E // NW
K = 128
EPW = EPT + 112
KC = 16
CAP = EPT + K + 16
NACC = 72
TRASH = 64


def _sc_body(x_hbm, edge_hbm, cand_hbm,
             acc_out, deg_out, slot_out,
             edges, mapv, candv, mpair,
             rows, degt, slotv, acc_sh, sem):
    cid = lax.axis_index("c")
    sid = lax.axis_index("s")
    wid = cid * NSUB + sid
    base = wid * EPT
    abase = (base // K) * K
    skew = base - abase

    cedge = pltpu.async_copy(edge_hbm.at[:, pl.ds(abase, EPW)], edges, sem)
    pltpu.sync_copy(cand_hbm, candv)

    zf = jnp.zeros((16,), jnp.float32)
    of = jnp.full((16,), 1.0, jnp.float32)
    zi = jnp.zeros((16,), jnp.int32)
    ti = jnp.full((16,), TRASH, jnp.int32)
    lanes = lax.iota(jnp.int32, 16)

    def zrow_body(r, c):
        degt[r, :] = zf
        for g in range(D // 16):
            rows[r, pl.ds(g * 16, 16)] = zf
        return c

    lax.fori_loop(0, NACC, zrow_body, 0)

    @pl.when(sid == 0)
    def _():
        pltpu.sync_copy(rows.at[pl.ds(0, NACC)], acc_sh)

    def map_zero(i, c):
        for u in range(5):
            mapv[pl.ds(i * 80 + u * 16, 16)] = zi
        return c

    with jax.named_scope("ph_mapzero"):
        lax.fori_loop(0, N // 80, map_zero, 0)
    for g in range(C // 16):
        vals = candv[pl.ds(g * 16, 16)]
        slots = lanes + (g * 16 + 1)
        for l in range(16):
            plsc.store_scatter(mapv, [vals], slots, mask=lanes == l)

    with jax.named_scope("ph_dmawait"):
        cedge.wait()

    def match_one(i, off):
        d = edges[1, pl.ds(skew + i * 16, 16)]
        s = edges[0, pl.ds(skew + i * 16, 16)]
        slot = plsc.load_gather(mapv, [d])
        m = slot > 0
        packed = (s << 7) | (slot - 1)
        plsc.store_compressed(mpair.at[pl.ds(off, 16)], packed, mask=m)
        return off + plsc.all_reduce_population_count(m)[0]

    def match_body(i, off):
        off = match_one(2 * i, off)
        return match_one(2 * i + 1, off)

    with jax.named_scope("ph_match"):
        off = lax.fori_loop(0, EPT // 32, match_body, jnp.int32(0))
        off = match_one(EPT // 16 - 1, off)

    for t in range(KC // 16):
        mpair[pl.ds(off + t * 16, 16)] = ti

    plsc.subcore_barrier()

    nch = (off + (KC - 1)) // KC

    def chunk_body(ch, c):
        packed = mpair[pl.ds(ch * KC, KC)]
        sv = packed >> 7
        tv = packed & 127
        pltpu.async_copy(x_hbm.at[sv], rows.at[pl.ds(0, KC)], sem).wait()
        pltpu.sync_copy(rows.at[pl.ds(0, KC)], acc_sh.at[tv], add=True)
        plsc.addupdate_scatter(degt, [tv, lanes], of, mask=None)
        return c

    with jax.named_scope("ph_chunks"):
        lax.fori_loop(0, nch, chunk_body, 0)

    pltpu.sync_copy(degt, deg_out.at[wid])

    plsc.subcore_barrier()

    @pl.when(sid == 0)
    def _():
        for g in range(C // 16):
            vals = candv[pl.ds(g * 16, 16)]
            slotv[pl.ds(g * 16, 16)] = plsc.load_gather(mapv, [vals])
        pltpu.sync_copy(slotv, slot_out.at[cid])
        pltpu.sync_copy(acc_sh, rows.at[pl.ds(0, NACC)])
        pltpu.sync_copy(rows.at[pl.ds(0, NACC)], acc_out.at[cid])


def _tc_body(acc_ref, deg_ref, slot_ref, w_ref, b_ref, wc_ref, bc_ref, o_ref):
    acc = acc_ref[0] + acc_ref[1]
    deg = jnp.sum(deg_ref[...], axis=0)
    sl0 = slot_ref[0:1, :] - 1
    pt = (lax.broadcasted_iota(jnp.int32, (NACC, C), 0)
          == jnp.broadcast_to(sl0, (NACC, C))).astype(jnp.float32)
    dims = (((0,), (0,)), ((), ()))
    agg = lax.dot_general(pt, acc, dims,
                          preferred_element_type=jnp.float32)
    d64 = jnp.sum(lax.dot_general(pt, deg, dims,
                                  preferred_element_type=jnp.float32),
                  axis=1, keepdims=True)
    mean = agg / jnp.maximum(d64, 1.0)
    h = jnp.maximum(
        jnp.dot(mean, w_ref[...], preferred_element_type=jnp.float32)
        + b_ref[...], 0.0)
    out = lax.dot_general(wc_ref[...], h, (((0,), (1,)), ((), ())),
                          preferred_element_type=jnp.float32)
    o_ref[...] = out + bc_ref[...]


def kernel(x, edge_index, cand_idx, W, b, Wc, bc):
    mesh = plsc.VectorSubcoreMesh(core_axis_name="c", subcore_axis_name="s")
    sc = pl.kernel(
        _sc_body,
        out_type=[
            jax.ShapeDtypeStruct((NCORE, NACC, D), jnp.float32),
            jax.ShapeDtypeStruct((NW, NACC, 16), jnp.float32),
            jax.ShapeDtypeStruct((NCORE, C), jnp.int32),
        ],
        mesh=mesh,
        compiler_params=pltpu.CompilerParams(needs_layout_passes=False),
        scratch_types=[
            pltpu.VMEM((2, EPW), jnp.int32),
            pltpu.VMEM((N,), jnp.int32),
            pltpu.VMEM((C,), jnp.int32),
            pltpu.VMEM((CAP,), jnp.int32),
            pltpu.VMEM((K, D), jnp.float32),
            pltpu.VMEM((NACC, 16), jnp.float32),
            pltpu.VMEM((C,), jnp.int32),
            pltpu.VMEM_SHARED((NACC, D), jnp.float32),
            pltpu.SemaphoreType.DMA,
        ],
    )
    acc2, deg2, slot2 = sc(x, edge_index, cand_idx)
    out = pl.pallas_call(
        _tc_body,
        out_shape=jax.ShapeDtypeStruct((1, C), jnp.float32),
    )(acc2, deg2, slot2, W, b.reshape(1, D), Wc, bc.reshape(1, 1))
    return out.reshape(C)

# --- scband reference (transcript-rebuilt; emitter-appended) ---
"""Pipeline reference for scband-hdemodel-34282428957296 (READ-ONLY COPY).

The authoritative reference and input builder live on the scoring server;
editing this copy changes nothing except your own understanding.
"""

import jax, jax.numpy as jnp
import numpy as np

N = 10000
E = 320000
D = 128
C = 64


def setup_inputs(seed: int = 0) -> dict:
    key = jax.random.key(seed)
    ks = jax.random.split(key, 8)
    x = jax.random.normal(ks[0], (N, D), dtype=jnp.float32)
    edge_index = jax.random.randint(ks[1], (2, E), 0, N, dtype=jnp.int32)
    cand_idx = jax.random.randint(ks[2], (C,), 0, N, dtype=jnp.int32)
    W = jax.random.normal(ks[3], (D, D), dtype=jnp.float32) * 0.05
    b = jnp.zeros((D,), dtype=jnp.float32)
    Wc = jax.random.normal(ks[4], (D, 1), dtype=jnp.float32) * 0.05
    bc = jnp.zeros((1,), dtype=jnp.float32)
    return {"x": x, "edge_index": edge_index, "cand_idx": cand_idx, "W": W, "b": b, "Wc": Wc, "bc": bc}


def reference(x, edge_index, cand_idx, W, b, Wc, bc):
    # HDEModel.pass_gnn: mean-aggregation message passing (GNNStack layer) + ReLU
    src = edge_index[0]
    dst = edge_index[1]
    msgs = jnp.take(x, src, axis=0)                              # gather source node feats
    agg = jax.ops.segment_sum(msgs, dst, num_segments=N)         # scatter-add to dst
    deg = jax.ops.segment_sum(jnp.ones((E,), dtype=x.dtype), dst, num_segments=N)
    h = agg / jnp.clip(deg, 1.0)[:, None]                        # mean aggregation
    h = jax.nn.relu(h @ W + b)
    # HDEModel.pass_output_model: gather candidate node embeddings, score (HDEScorer)
    cand_embs = jnp.take(h, cand_idx, axis=0)
    cand_probs = (cand_embs @ Wc + bc).reshape(-1)
    return cand_probs

if __name__ == "__main__":
    import jax
    _d = setup_inputs()
    print(jax.jit(kernel)(*tuple(_d.values())))

</pallas_src>

<mosaic_0001>
#map = affine_map<(d0, d1) -> (0, 0)>
#map1 = affine_map<(d0, d1) -> (0)>
#map2 = affine_map<(d0, d1) -> (0, 0, 0)>
module attributes {stable_mosaic.version = 14 : i64} {
  func.func @_sc_body(%arg0: i32, %arg1: i32, %arg2: memref<10000x128xf32, #tpu.memory_space<hbm>>, %arg3: memref<2x320000xi32, #tpu.memory_space<hbm>>, %arg4: memref<64xi32, #tpu.memory_space<hbm>>, %arg5: memref<2x72x128xf32, #tpu.memory_space<hbm>>, %arg6: memref<32x72x16xf32, #tpu.memory_space<hbm>>, %arg7: memref<2x64xi32, #tpu.memory_space<hbm>>, %arg8: memref<2x10112xi32, #tpu.memory_space<vmem>>, %arg9: memref<10000xi32, #tpu.memory_space<vmem>>, %arg10: memref<64xi32, #tpu.memory_space<vmem>>, %arg11: memref<10144xi32, #tpu.memory_space<vmem>>, %arg12: memref<128x128xf32, #tpu.memory_space<vmem>>, %arg13: memref<72x16xf32, #tpu.memory_space<vmem>>, %arg14: memref<64xi32, #tpu.memory_space<vmem>>, %arg15: memref<72x128xf32, #tpu.memory_space<vmem_shared>>, %arg16: memref<!tpu.dma_semaphore, #tpu.memory_space<semaphore_mem>>) attributes {dimension_semantics = [#tpu.dimension_semantics<core_parallel>, #tpu.dimension_semantics<subcore_parallel>], iteration_bounds = array<i64: 2, 16>, scalar_prefetch = 0 : i64, scratch_operands = 9 : i64, tpu.core_type = #tpu.core_type<sc_vector_subcore>, window_params = [{transform_indices = #map}, {transform_indices = #map}, {transform_indices = #map1}, {transform_indices = #map2}, {transform_indices = #map2}, {transform_indices = #map}]} {
    %mul3A = arith.constant 16 : i32
    %mul3A_0 = arith.muli %arg0, %mul3A : i32
    %add3A = arith.addi %mul3A_0, %arg1 : i32
    %mul3A_1 = arith.constant 10000 : i32
    %mul3A_2 = arith.muli %add3A, %mul3A_1 : i32
    %jit3A = arith.constant 128 : i32
    %div3A = arith.divsi %mul3A_2, %jit3A : i32
    %sign3A = arith.constant 0 : i32
    %sign3A_3 = arith.cmpi sgt, %mul3A_2, %sign3A : i32
    %sign3A_4 = arith.extui %sign3A_3 : i1 to i32
    %sign3A_5 = arith.constant 0 : i32
    %sign3A_6 = arith.cmpi slt, %mul3A_2, %sign3A_5 : i32
    %sign3A_7 = arith.extui %sign3A_6 : i1 to i32
    %sign3A_8 = arith.subi %sign3A_4, %sign3A_7 : i32
    %sign3A_9 = arith.constant 0 : i32
    %sign3A_10 = arith.cmpi sgt, %jit3A, %sign3A_9 : i32
    %sign3A_11 = arith.extui %sign3A_10 : i1 to i32
    %sign3A_12 = arith.constant 0 : i32
    %sign3A_13 = arith.cmpi slt, %jit3A, %sign3A_12 : i32
    %sign3A_14 = arith.extui %sign3A_13 : i1 to i32
    %sign3A_15 = arith.subi %sign3A_11, %sign3A_14 : i32
    %ne3A = arith.cmpi ne, %sign3A_8, %sign3A_15 : i32
    %rem3A = arith.remsi %mul3A_2, %jit3A : i32
    %ne3A_16 = arith.constant 0 : i32
    %ne3A_17 = arith.cmpi ne, %rem3A, %ne3A_16 : i32
    %and3A = arith.andi %ne3A, %ne3A_17 : i1
    %sub3A = arith.constant 1 : i32
    %sub3A_18 = arith.subi %div3A, %sub3A : i32
    %select_n3A = arith.select %and3A, %sub3A_18, %div3A : i32
    %mul3A_19 = arith.constant 128 : i32
    %mul3A_20 = arith.muli %select_n3A, %mul3A_19 : i32
    %sub3A_21 = arith.subi %mul3A_2, %mul3A_20 : i32
    %dma_start3A = arith.constant 0 : i32
    %dma_start3A_22 = tpu.memref_slice %arg3[%dma_start3A, %mul3A_20] : memref<2x320000xi32, #tpu.memory_space<hbm>> -> memref<2x10112xi32, #tpu.memory_space<hbm>>
    %dma_start3A_23 = arith.constant 0 : i32
    %dma_start3A_24 = tpu.memref_slice %arg3[%dma_start3A_23, %mul3A_20] : memref<2x320000xi32, #tpu.memory_space<hbm>> -> memref<2x10112xi32, #tpu.memory_space<hbm>>
    tpu.enqueue_dma source(%dma_start3A_24 : memref<2x10112xi32, #tpu.memory_space<hbm>>) target(%arg8 : memref<2x10112xi32, #tpu.memory_space<vmem>>) target_semaphore(%arg16 : memref<!tpu.dma_semaphore, #tpu.memory_space<semaphore_mem>>)
    "tpu.region"() ({
      %run_scoped3A = tpu.sem_alloc : memref<!tpu.dma_semaphore, #tpu.memory_space<semaphore_mem>>
      tpu.enqueue_dma source(%arg4 : memref<64xi32, #tpu.memory_space<hbm>>) target(%arg10 : memref<64xi32, #tpu.memory_space<vmem>>) target_semaphore(%run_scoped3A : memref<!tpu.dma_semaphore, #tpu.memory_space<semaphore_mem>>)
      tpu.wait_dma2 semaphore(%run_scoped3A : memref<!tpu.dma_semaphore, #tpu.memory_space<semaphore_mem>>) src(%arg4 : memref<64xi32, #tpu.memory_space<hbm>>) dst(%arg10 : memref<64xi32, #tpu.memory_space<vmem>>)
      tpu.yield
    }) : () -> ()
    %broadcast_in_dim3A = arith.constant 0.000000e+00 : f32
    %broadcast_in_dim3A_25 = vector.broadcast %broadcast_in_dim3A : f32 to vector<16xf32>
    %broadcast_in_dim3A_26 = arith.constant 1.000000e+00 : f32
    %broadcast_in_dim3A_27 = vector.broadcast %broadcast_in_dim3A_26 : f32 to vector<16xf32>
    %broadcast_in_dim3A_28 = arith.constant 0 : i32
    %broadcast_in_dim3A_29 = vector.broadcast %broadcast_in_dim3A_28 : i32 to vector<16xi32>
    %broadcast_in_dim3A_30 = arith.constant 64 : i32
    %broadcast_in_dim3A_31 = vector.broadcast %broadcast_in_dim3A_30 : i32 to vector<16xi32>
    %iota3A = tpu.iota {dimensions = array<i32: 0>} : vector<16xi32>
    %scan3A = arith.constant 0 : i32
    %scan3A_32 = arith.constant 0 : i32
    %scan3A_33 = arith.constant 72 : i32
    %scan3A_34 = arith.addi %scan3A_32, %scan3A_33 : i32
    %scan3A_35 = arith.constant 1 : i32
    scf.for %scan3A_332 = %scan3A_32 to %scan3A_34 step %scan3A_35  : i32 {
      %swap3A_333 = arith.index_cast %scan3A_332 : i32 to index
      %swap3A_334 = arith.constant 0 : index
      %swap3A_335 = tpu.vector_load %arg13[%swap3A_333, %swap3A_334] {strides = array<i32>} : memref<72x16xf32, #tpu.memory_space<vmem>>, vector<16xf32>,
      tpu.vector_store %arg13[%swap3A_333, %swap3A_334], %broadcast_in_dim3A_25 {strides = array<i32>} : memref<72x16xf32, #tpu.memory_space<vmem>>, vector<16xf32>,
      %swap3A_336 = arith.index_cast %scan3A_332 : i32 to index
      %swap3A_337 = arith.constant 0 : index
      %swap3A_338 = tpu.vector_load %arg12[%swap3A_336, %swap3A_337] {strides = array<i32>} : memref<128x128xf32, #tpu.memory_space<vmem>>, vector<16xf32>,
      tpu.vector_store %arg12[%swap3A_336, %swap3A_337], %broadcast_in_dim3A_25 {strides = array<i32>} : memref<128x128xf32, #tpu.memory_space<vmem>>, vector<16xf32>,
      %swap3A_339 = arith.index_cast %scan3A_332 : i32 to index
      %swap3A_340 = arith.constant 16 : index
      %swap3A_341 = tpu.vector_load %arg12[%swap3A_339, %swap3A_340] {strides = array<i32>} : memref<128x128xf32, #tpu.memory_space<vmem>>, vector<16xf32>,
      tpu.vector_store %arg12[%swap3A_339, %swap3A_340], %broadcast_in_dim3A_25 {strides = array<i32>} : memref<128x128xf32, #tpu.memory_space<vmem>>, vector<16xf32>,
      %swap3A_342 = arith.index_cast %scan3A_332 : i32 to index
      %swap3A_343 = arith.constant 32 : index
      %swap3A_344 = tpu.vector_load %arg12[%swap3A_342, %swap3A_343] {strides = array<i32>} : memref<128x128xf32, #tpu.memory_space<vmem>>, vector<16xf32>,
      tpu.vector_store %arg12[%swap3A_342, %swap3A_343], %broadcast_in_dim3A_25 {strides = array<i32>} : memref<128x128xf32, #tpu.memory_space<vmem>>, vector<16xf32>,
      %swap3A_345 = arith.index_cast %scan3A_332 : i32 to index
      %swap3A_346 = arith.constant 48 : index
      %swap3A_347 = tpu.vector_load %arg12[%swap3A_345, %swap3A_346] {strides = array<i32>} : memref<128x128xf32, #tpu.memory_space<vmem>>, vector<16xf32>,
      tpu.vector_store %arg12[%swap3A_345, %swap3A_346], %broadcast_in_dim3A_25 {strides = array<i32>} : memref<128x128xf32, #tpu.memory_space<vmem>>, vector<16xf32>,
      %swap3A_348 = arith.index_cast %scan3A_332 : i32 to index
      %swap3A_349 = arith.constant 64 : index
      %swap3A_350 = tpu.vector_load %arg12[%swap3A_348, %swap3A_349] {strides = array<i32>} : memref<128x128xf32, #tpu.memory_space<vmem>>, vector<16xf32>,
      tpu.vector_store %arg12[%swap3A_348, %swap3A_349], %broadcast_in_dim3A_25 {strides = array<i32>} : memref<128x128xf32, #tpu.memory_space<vmem>>, vector<16xf32>,
      %swap3A_351 = arith.index_cast %scan3A_332 : i32 to index
      %swap3A_352 = arith.constant 80 : index
      %swap3A_353 = tpu.vector_load %arg12[%swap3A_351, %swap3A_352] {strides = array<i32>} : memref<128x128xf32, #tpu.memory_space<vmem>>, vector<16xf32>,
      tpu.vector_store %arg12[%swap3A_351, %swap3A_352], %broadcast_in_dim3A_25 {strides = array<i32>} : memref<128x128xf32, #tpu.memory_space<vmem>>, vector<16xf32>,
      %swap3A_354 = arith.index_cast %scan3A_332 : i32 to index
      %swap3A_355 = arith.constant 96 : index
      %swap3A_356 = tpu.vector_load %arg12[%swap3A_354, %swap3A_355] {strides = array<i32>} : memref<128x128xf32, #tpu.memory_space<vmem>>, vector<16xf32>,
      tpu.vector_store %arg12[%swap3A_354, %swap3A_355], %broadcast_in_dim3A_25 {strides = array<i32>} : memref<128x128xf32, #tpu.memory_space<vmem>>, vector<16xf32>,
      %swap3A_357 = arith.index_cast %scan3A_332 : i32 to index
      %swap3A_358 = arith.constant 112 : index
      %swap3A_359 = tpu.vector_load %arg12[%swap3A_357, %swap3A_358] {strides = array<i32>} : memref<128x128xf32, #tpu.memory_space<vmem>>, vector<16xf32>,
      tpu.vector_store %arg12[%swap3A_357, %swap3A_358], %broadcast_in_dim3A_25 {strides = array<i32>} : memref<128x128xf32, #tpu.memory_space<vmem>>, vector<16xf32>,
    }
    %scan3A_36 = arith.constant 72 : i32
    %eq3A = arith.constant 0 : i32
    %eq3A_37 = arith.cmpi eq, %arg1, %eq3A : i32
    %convert_element_type3A = arith.extui %eq3A_37 : i1 to i32
    %cond3A = arith.constant 0 : i32
    %cond3A_38 = arith.cmpi ne, %convert_element_type3A, %cond3A : i32
    scf.if %cond3A_38 {
      "tpu.region"() ({
        %run_scoped3A = tpu.sem_alloc : memref<!tpu.dma_semaphore, #tpu.memory_space<semaphore_mem>>
        %dma_start3A_332 = arith.constant 0 : i32
        %dma_start3A_333 = arith.constant 0 : i32
        %dma_start3A_334 = tpu.memref_slice %arg12[%dma_start3A_332, %dma_start3A_333] : memref<128x128xf32, #tpu.memory_space<vmem>> -> memref<72x128xf32, #tpu.memory_space<vmem>>
        %dma_start3A_335 = arith.constant 0 : i32
        %dma_start3A_336 = arith.constant 0 : i32
        %dma_start3A_337 = tpu.memref_slice %arg12[%dma_start3A_335, %dma_start3A_336] : memref<128x128xf32, #tpu.memory_space<vmem>> -> memref<72x128xf32, #tpu.memory_space<vmem>>
        tpu.enqueue_dma source(%dma_start3A_337 : memref<72x128xf32, #tpu.memory_space<vmem>>) target(%arg15 : memref<72x128xf32, #tpu.memory_space<vmem_shared>>) target_semaphore(%run_scoped3A : memref<!tpu.dma_semaphore, #tpu.memory_space<semaphore_mem>>)
        %dma_wait3A_338 = arith.constant 0 : i32
        %dma_wait3A_339 = arith.constant 0 : i32
        %dma_wait3A_340 = tpu.memref_slice %arg12[%dma_wait3A_338, %dma_wait3A_339] : memref<128x128xf32, #tpu.memory_space<vmem>> -> memref<72x128xf32, #tpu.memory_space<vmem>>
        %dma_wait3A_341 = arith.constant 0 : i32
        %dma_wait3A_342 = arith.constant 0 : i32
        %dma_wait3A_343 = tpu.memref_slice %arg12[%dma_wait3A_341, %dma_wait3A_342] : memref<128x128xf32, #tpu.memory_space<vmem>> -> memref<72x128xf32, #tpu.memory_space<vmem>>
        tpu.wait_dma2 semaphore(%run_scoped3A : memref<!tpu.dma_semaphore, #tpu.memory_space<semaphore_mem>>) src(%dma_wait3A_343 : memref<72x128xf32, #tpu.memory_space<vmem>>) dst(%arg15 : memref<72x128xf32, #tpu.memory_space<vmem_shared>>)
        tpu.yield
      }) : () -> ()
    } else {
    }
    "tpu.trace_start"() <{level = 10 : i32, message = "ph_mapzero"}> : () -> ()
    %scan3A_39 = arith.constant 0 : i32
    %scan3A_40 = arith.constant 0 : i32
    %scan3A_41 = arith.constant 125 : i32
    %scan3A_42 = arith.addi %scan3A_40, %scan3A_41 : i32
    %scan3A_43 = arith.constant 1 : i32
    scf.for %scan3A_332 = %scan3A_40 to %scan3A_42 step %scan3A_43  : i32 {
      %mul3A_333 = arith.constant 80 : i32
      %mul3A_334 = arith.muli %scan3A_332, %mul3A_333 : i32
      %add3A_335 = arith.constant 0 : i32
      %add3A_336 = arith.addi %mul3A_334, %add3A_335 : i32
      %swap3A_337 = arith.index_cast %add3A_336 : i32 to index
      %swap3A_338 = tpu.vector_load %arg9[%swap3A_337] {strides = array<i32>} : memref<10000xi32, #tpu.memory_space<vmem>>, vector<16xi32>,
      tpu.vector_store %arg9[%swap3A_337], %broadcast_in_dim3A_29 {strides = array<i32>} : memref<10000xi32, #tpu.memory_space<vmem>>, vector<16xi32>,
      %mul3A_339 = arith.constant 80 : i32
      %mul3A_340 = arith.muli %scan3A_332, %mul3A_339 : i32
      %add3A_341 = arith.constant 16 : i32
      %add3A_342 = arith.addi %mul3A_340, %add3A_341 : i32
      %swap3A_343 = arith.index_cast %add3A_342 : i32 to index
      %swap3A_344 = tpu.vector_load %arg9[%swap3A_343] {strides = array<i32>} : memref<10000xi32, #tpu.memory_space<vmem>>, vector<16xi32>,
      tpu.vector_store %arg9[%swap3A_343], %broadcast_in_dim3A_29 {strides = array<i32>} : memref<10000xi32, #tpu.memory_space<vmem>>, vector<16xi32>,
      %mul3A_345 = arith.constant 80 : i32
      %mul3A_346 = arith.muli %scan3A_332, %mul3A_345 : i32
      %add3A_347 = arith.constant 32 : i32
      %add3A_348 = arith.addi %mul3A_346, %add3A_347 : i32
      %swap3A_349 = arith.index_cast %add3A_348 : i32 to index
      %swap3A_350 = tpu.vector_load %arg9[%swap3A_349] {strides = array<i32>} : memref<10000xi32, #tpu.memory_space<vmem>>, vector<16xi32>,
      tpu.vector_store %arg9[%swap3A_349], %broadcast_in_dim3A_29 {strides = array<i32>} : memref<10000xi32, #tpu.memory_space<vmem>>, vector<16xi32>,
      %mul3A_351 = arith.constant 80 : i32
      %mul3A_352 = arith.muli %scan3A_332, %mul3A_351 : i32
      %add3A_353 = arith.constant 48 : i32
      %add3A_354 = arith.addi %mul3A_352, %add3A_353 : i32
      %swap3A_355 = arith.index_cast %add3A_354 : i32 to index
      %swap3A_356 = tpu.vector_load %arg9[%swap3A_355] {strides = array<i32>} : memref<10000xi32, #tpu.memory_space<vmem>>, vector<16xi32>,
      tpu.vector_store %arg9[%swap3A_355], %broadcast_in_dim3A_29 {strides = array<i32>} : memref<10000xi32, #tpu.memory_space<vmem>>, vector<16xi32>,
      %mul3A_357 = arith.constant 80 : i32
      %mul3A_358 = arith.muli %scan3A_332, %mul3A_357 : i32
      %add3A_359 = arith.constant 64 : i32
      %add3A_360 = arith.addi %mul3A_358, %add3A_359 : i32
      %swap3A_361 = arith.index_cast %add3A_360 : i32 to index
      %swap3A_362 = tpu.vector_load %arg9[%swap3A_361] {strides = array<i32>} : memref<10000xi32, #tpu.memory_space<vmem>>, vector<16xi32>,
      tpu.vector_store %arg9[%swap3A_361], %broadcast_in_dim3A_29 {strides = array<i32>} : memref<10000xi32, #tpu.memory_space<vmem>>, vector<16xi32>,
    }
    %scan3A_44 = arith.constant 125 : i32
    "tpu.trace_stop"() : () -> ()
    %get3A = arith.constant 0 : index
    %get3A_45 = tpu.vector_load %arg10[%get3A] {strides = array<i32>} : memref<64xi32, #tpu.memory_space<vmem>>, vector<16xi32>,
    %add3A_46 = arith.constant 1 : i32
    %add3A_47 = vector.broadcast %add3A_46 : i32 to vector<16xi32>
    %add3A_48 = arith.addi %iota3A, %add3A_47 : vector<16xi32>
    %eq3A_49 = arith.constant 0 : i32
    %eq3A_50 = vector.broadcast %eq3A_49 : i32 to vector<16xi32>
    %eq3A_51 = arith.cmpi eq, %iota3A, %eq3A_50 : vector<16xi32>
    tpu.vector_store_idx %arg9[%get3A_45], %add3A_48 masked %eq3A_51 : memref<10000xi32, #tpu.memory_space<vmem>>[vector<16xi32>], vector<16xi32>, vector<16xi1>
    %eq3A_52 = arith.constant 1 : i32
    %eq3A_53 = vector.broadcast %eq3A_52 : i32 to vector<16xi32>
    %eq3A_54 = arith.cmpi eq, %iota3A, %eq3A_53 : vector<16xi32>
    tpu.vector_store_idx %arg9[%get3A_45], %add3A_48 masked %eq3A_54 : memref<10000xi32, #tpu.memory_space<vmem>>[vector<16xi32>], vector<16xi32>, vector<16xi1>
    %eq3A_55 = arith.constant 2 : i32
    %eq3A_56 = vector.broadcast %eq3A_55 : i32 to vector<16xi32>
    %eq3A_57 = arith.cmpi eq, %iota3A, %eq3A_56 : vector<16xi32>
    tpu.vector_store_idx %arg9[%get3A_45], %add3A_48 masked %eq3A_57 : memref<10000xi32, #tpu.memory_space<vmem>>[vector<16xi32>], vector<16xi32>, vector<16xi1>
    %eq3A_58 = arith.constant 3 : i32
    %eq3A_59 = vector.broadcast %eq3A_58 : i32 to vector<16xi32>
    %eq3A_60 = arith.cmpi eq, %iota3A, %eq3A_59 : vector<16xi32>
    tpu.vector_store_idx %arg9[%get3A_45], %add3A_48 masked %eq3A_60 : memref<10000xi32, #tpu.memory_space<vmem>>[vector<16xi32>], vector<16xi32>, vector<16xi1>
    %eq3A_61 = arith.constant 4 : i32
    %eq3A_62 = vector.broadcast %eq3A_61 : i32 to vector<16xi32>
    %eq3A_63 = arith.cmpi eq, %iota3A, %eq3A_62 : vector<16xi32>
    tpu.vector_store_idx %arg9[%get3A_45], %add3A_48 masked %eq3A_63 : memref<10000xi32, #tpu.memory_space<vmem>>[vector<16xi32>], vector<16xi32>, vector<16xi1>
    %eq3A_64 = arith.constant 5 : i32
    %eq3A_65 = vector.broadcast %eq3A_64 : i32 to vector<16xi32>
    %eq3A_66 = arith.cmpi eq, %iota3A, %eq3A_65 : vector<16xi32>
    tpu.vector_store_idx %arg9[%get3A_45], %add3A_48 masked %eq3A_66 : memref<10000xi32, #tpu.memory_space<vmem>>[vector<16xi32>], vector<16xi32>, vector<16xi1>
    %eq3A_67 = arith.constant 6 : i32
    %eq3A_68 = vector.broadcast %eq3A_67 : i32 to vector<16xi32>
    %eq3A_69 = arith.cmpi eq, %iota3A, %eq3A_68 : vector<16xi32>
    tpu.vector_store_idx %arg9[%get3A_45], %add3A_48 masked %eq3A_69 : memref<10000xi32, #tpu.memory_space<vmem>>[vector<16xi32>], vector<16xi32>, vector<16xi1>
    %eq3A_70 = arith.constant 7 : i32
    %eq3A_71 = vector.broadcast %eq3A_70 : i32 to vector<16xi32>
    %eq3A_72 = arith.cmpi eq, %iota3A, %eq3A_71 : vector<16xi32>
    tpu.vector_store_idx %arg9[%get3A_45], %add3A_48 masked %eq3A_72 : memref<10000xi32, #tpu.memory_space<vmem>>[vector<16xi32>], vector<16xi32>, vector<16xi1>
    %eq3A_73 = arith.constant 8 : i32
    %eq3A_74 = vector.broadcast %eq3A_73 : i32 to vector<16xi32>
    %eq3A_75 = arith.cmpi eq, %iota3A, %eq3A_74 : vector<16xi32>
    tpu.vector_store_idx %arg9[%get3A_45], %add3A_48 masked %eq3A_75 : memref<10000xi32, #tpu.memory_space<vmem>>[vector<16xi32>], vector<16xi32>, vector<16xi1>
    %eq3A_76 = arith.constant 9 : i32
    %eq3A_77 = vector.broadcast %eq3A_76 : i32 to vector<16xi32>
    %eq3A_78 = arith.cmpi eq, %iota3A, %eq3A_77 : vector<16xi32>
    tpu.vector_store_idx %arg9[%get3A_45], %add3A_48 masked %eq3A_78 : memref<10000xi32, #tpu.memory_space<vmem>>[vector<16xi32>], vector<16xi32>, vector<16xi1>
    %eq3A_79 = arith.constant 10 : i32
    %eq3A_80 = vector.broadcast %eq3A_79 : i32 to vector<16xi32>
    %eq3A_81 = arith.cmpi eq, %iota3A, %eq3A_80 : vector<16xi32>
    tpu.vector_store_idx %arg9[%get3A_45], %add3A_48 masked %eq3A_81 : memref<10000xi32, #tpu.memory_space<vmem>>[vector<16xi32>], vector<16xi32>, vector<16xi1>
    %eq3A_82 = arith.constant 11 : i32
    %eq3A_83 = vector.broadcast %eq3A_82 : i32 to vector<16xi32>
    %eq3A_84 = arith.cmpi eq, %iota3A, %eq3A_83 : vector<16xi32>
    tpu.vector_store_idx %arg9[%get3A_45], %add3A_48 masked %eq3A_84 : memref<10000xi32, #tpu.memory_space<vmem>>[vector<16xi32>], vector<16xi32>, vector<16xi1>
    %eq3A_85 = arith.constant 12 : i32
    %eq3A_86 = vector.broadcast %eq3A_85 : i32 to vector<16xi32>
    %eq3A_87 = arith.cmpi eq, %iota3A, %eq3A_86 : vector<16xi32>
    tpu.vector_store_idx %arg9[%get3A_45], %add3A_48 masked %eq3A_87 : memref<10000xi32, #tpu.memory_space<vmem>>[vector<16xi32>], vector<16xi32>, vector<16xi1>
    %eq3A_88 = arith.constant 13 : i32
    %eq3A_89 = vector.broadcast %eq3A_88 : i32 to vector<16xi32>
    %eq3A_90 = arith.cmpi eq, %iota3A, %eq3A_89 : vector<16xi32>
    tpu.vector_store_idx %arg9[%get3A_45], %add3A_48 masked %eq3A_90 : memref<10000xi32, #tpu.memory_space<vmem>>[vector<16xi32>], vector<16xi32>, vector<16xi1>
    %eq3A_91 = arith.constant 14 : i32
    %eq3A_92 = vector.broadcast %eq3A_91 : i32 to vector<16xi32>
    %eq3A_93 = arith.cmpi eq, %iota3A, %eq3A_92 : vector<16xi32>
    tpu.vector_store_idx %arg9[%get3A_45], %add3A_48 masked %eq3A_93 : memref<10000xi32, #tpu.memory_space<vmem>>[vector<16xi32>], vector<16xi32>, vector<16xi1>
    %eq3A_94 = arith.constant 15 : i32
    %eq3A_95 = vector.broadcast %eq3A_94 : i32 to vector<16xi32>
    %eq3A_96 = arith.cmpi eq, %iota3A, %eq3A_95 : vector<16xi32>
    tpu.vector_store_idx %arg9[%get3A_45], %add3A_48 masked %eq3A_96 : memref<10000xi32, #tpu.memory_space<vmem>>[vector<16xi32>], vector<16xi32>, vector<16xi1>
    %get3A_97 = arith.constant 16 : index
    %get3A_98 = tpu.vector_load %arg10[%get3A_97] {strides = array<i32>} : memref<64xi32, #tpu.memory_space<vmem>>, vector<16xi32>,
    %add3A_99 = arith.constant 17 : i32
    %add3A_100 = vector.broadcast %add3A_99 : i32 to vector<16xi32>
    %add3A_101 = arith.addi %iota3A, %add3A_100 : vector<16xi32>
    %eq3A_102 = arith.constant 0 : i32
    %eq3A_103 = vector.broadcast %eq3A_102 : i32 to vector<16xi32>
    %eq3A_104 = arith.cmpi eq, %iota3A, %eq3A_103 : vector<16xi32>
    tpu.vector_store_idx %arg9[%get3A_98], %add3A_101 masked %eq3A_104 : memref<10000xi32, #tpu.memory_space<vmem>>[vector<16xi32>], vector<16xi32>, vector<16xi1>
    %eq3A_105 = arith.constant 1 : i32
    %eq3A_106 = vector.broadcast %eq3A_105 : i32 to vector<16xi32>
    %eq3A_107 = arith.cmpi eq, %iota3A, %eq3A_106 : vector<16xi32>
    tpu.vector_store_idx %arg9[%get3A_98], %add3A_101 masked %eq3A_107 : memref<10000xi32, #tpu.memory_space<vmem>>[vector<16xi32>], vector<16xi32>, vector<16xi1>
    %eq3A_108 = arith.constant 2 : i32
    %eq3A_109 = vector.broadcast %eq3A_108 : i32 to vector<16xi32>
    %eq3A_110 = arith.cmpi eq, %iota3A, %eq3A_109 : vector<16xi32>
    tpu.vector_store_idx %arg9[%get3A_98], %add3A_101 masked %eq3A_110 : memref<10000xi32, #tpu.memory_space<vmem>>[vector<16xi32>], vector<16xi32>, vector<16xi1>
    %eq3A_111 = arith.constant 3 : i32
    %eq3A_112 = vector.broadcast %eq3A_111 : i32 to vector<16xi32>
    %eq3A_113 = arith.cmpi eq, %iota3A, %eq3A_112 : vector<16xi32>
    tpu.vector_store_idx %arg9[%get3A_98], %add3A_101 masked %eq3A_113 : memref<10000xi32, #tpu.memory_space<vmem>>[vector<16xi32>], vector<16xi32>, vector<16xi1>
    %eq3A_114 = arith.constant 4 : i32
    %eq3A_115 = vector.broadcast %eq3A_114 : i32 to vector<16xi32>
    %eq3A_116 = arith.cmpi eq, %iota3A, %eq3A_115 : vector<16xi32>
    tpu.vector_store_idx %arg9[%get3A_98], %add3A_101 masked %eq3A_116 : memref<10000xi32, #tpu.memory_space<vmem>>[vector<16xi32>], vector<16xi32>, vector<16xi1>
    %eq3A_117 = arith.constant 5 : i32
    %eq3A_118 = vector.broadcast %eq3A_117 : i32 to vector<16xi32>
    %eq3A_119 = arith.cmpi eq, %iota3A, %eq3A_118 : vector<16xi32>
    tpu.vector_store_idx %arg9[%get3A_98], %add3A_101 masked %eq3A_119 : memref<10000xi32, #tpu.memory_space<vmem>>[vector<16xi32>], vector<16xi32>, vector<16xi1>
    %eq3A_120 = arith.constant 6 : i32
    %eq3A_121 = vector.broadcast %eq3A_120 : i32 to vector<16xi32>
    %eq3A_122 = arith.cmpi eq, %iota3A, %eq3A_121 : vector<16xi32>
    tpu.vector_store_idx %arg9[%get3A_98], %add3A_101 masked %eq3A_122 : memref<10000xi32, #tpu.memory_space<vmem>>[vector<16xi32>], vector<16xi32>, vector<16xi1>
    %eq3A_123 = arith.constant 7 : i32
    %eq3A_124 = vector.broadcast %eq3A_123 : i32 to vector<16xi32>
    %eq3A_125 = arith.cmpi eq, %iota3A, %eq3A_124 : vector<16xi32>
    tpu.vector_store_idx %arg9[%get3A_98], %add3A_101 masked %eq3A_125 : memref<10000xi32, #tpu.memory_space<vmem>>[vector<16xi32>], vector<16xi32>, vector<16xi1>
    %eq3A_126 = arith.constant 8 : i32
    %eq3A_127 = vector.broadcast %eq3A_126 : i32 to vector<16xi32>
    %eq3A_128 = arith.cmpi eq, %iota3A, %eq3A_127 : vector<16xi32>
    tpu.vector_store_idx %arg9[%get3A_98], %add3A_101 masked %eq3A_128 : memref<10000xi32, #tpu.memory_space<vmem>>[vector<16xi32>], vector<16xi32>, vector<16xi1>
    %eq3A_129 = arith.constant 9 : i32
    %eq3A_130 = vector.broadcast %eq3A_129 : i32 to vector<16xi32>
    %eq3A_131 = arith.cmpi eq, %iota3A, %eq3A_130 : vector<16xi32>
    tpu.vector_store_idx %arg9[%get3A_98], %add3A_101 masked %eq3A_131 : memref<10000xi32, #tpu.memory_space<vmem>>[vector<16xi32>], vector<16xi32>, vector<16xi1>
    %eq3A_132 = arith.constant 10 : i32
    %eq3A_133 = vector.broadcast %eq3A_132 : i32 to vector<16xi32>
    %eq3A_134 = arith.cmpi eq, %iota3A, %eq3A_133 : vector<16xi32>
    tpu.vector_store_idx %arg9[%get3A_98], %add3A_101 masked %eq3A_134 : memref<10000xi32, #tpu.memory_space<vmem>>[vector<16xi32>], vector<16xi32>, vector<16xi1>
    %eq3A_135 = arith.constant 11 : i32
    %eq3A_136 = vector.broadcast %eq3A_135 : i32 to vector<16xi32>
    %eq3A_137 = arith.cmpi eq, %iota3A, %eq3A_136 : vector<16xi32>
    tpu.vector_store_idx %arg9[%get3A_98], %add3A_101 masked %eq3A_137 : memref<10000xi32, #tpu.memory_space<vmem>>[vector<16xi32>], vector<16xi32>, vector<16xi1>
    %eq3A_138 = arith.constant 12 : i32
    %eq3A_139 = vector.broadcast %eq3A_138 : i32 to vector<16xi32>
    %eq3A_140 = arith.cmpi eq, %iota3A, %eq3A_139 : vector<16xi32>
    tpu.vector_store_idx %arg9[%get3A_98], %add3A_101 masked %eq3A_140 : memref<10000xi32, #tpu.memory_space<vmem>>[vector<16xi32>], vector<16xi32>, vector<16xi1>
    %eq3A_141 = arith.constant 13 : i32
    %eq3A_142 = vector.broadcast %eq3A_141 : i32 to vector<16xi32>
    %eq3A_143 = arith.cmpi eq, %iota3A, %eq3A_142 : vector<16xi32>
    tpu.vector_store_idx %arg9[%get3A_98], %add3A_101 masked %eq3A_143 : memref<10000xi32, #tpu.memory_space<vmem>>[vector<16xi32>], vector<16xi32>, vector<16xi1>
    %eq3A_144 = arith.constant 14 : i32
    %eq3A_145 = vector.broadcast %eq3A_144 : i32 to vector<16xi32>
    %eq3A_146 = arith.cmpi eq, %iota3A, %eq3A_145 : vector<16xi32>
    tpu.vector_store_idx %arg9[%get3A_98], %add3A_101 masked %eq3A_146 : memref<10000xi32, #tpu.memory_space<vmem>>[vector<16xi32>], vector<16xi32>, vector<16xi1>
    %eq3A_147 = arith.constant 15 : i32
    %eq3A_148 = vector.broadcast %eq3A_147 : i32 to vector<16xi32>
    %eq3A_149 = arith.cmpi eq, %iota3A, %eq3A_148 : vector<16xi32>
    tpu.vector_store_idx %arg9[%get3A_98], %add3A_101 masked %eq3A_149 : memref<10000xi32, #tpu.memory_space<vmem>>[vector<16xi32>], vector<16xi32>, vector<16xi1>
    %get3A_150 = arith.constant 32 : index
    %get3A_151 = tpu.vector_load %arg10[%get3A_150] {strides = array<i32>} : memref<64xi32, #tpu.memory_space<vmem>>, vector<16xi32>,
    %add3A_152 = arith.constant 33 : i32
    %add3A_153 = vector.broadcast %add3A_152 : i32 to vector<16xi32>
    %add3A_154 = arith.addi %iota3A, %add3A_153 : vector<16xi32>
    %eq3A_155 = arith.constant 0 : i32
    %eq3A_156 = vector.broadcast %eq3A_155 : i32 to vector<16xi32>
    %eq3A_157 = arith.cmpi eq, %iota3A, %eq3A_156 : vector<16xi32>
    tpu.vector_store_idx %arg9[%get3A_151], %add3A_154 masked %eq3A_157 : memref<10000xi32, #tpu.memory_space<vmem>>[vector<16xi32>], vector<16xi32>, vector<16xi1>
    %eq3A_158 = arith.constant 1 : i32
    %eq3A_159 = vector.broadcast %eq3A_158 : i32 to vector<16xi32>
    %eq3A_160 = arith.cmpi eq, %iota3A, %eq3A_159 : vector<16xi32>
    tpu.vector_store_idx %arg9[%get3A_151], %add3A_154 masked %eq3A_160 : memref<10000xi32, #tpu.memory_space<vmem>>[vector<16xi32>], vector<16xi32>, vector<16xi1>
    %eq3A_161 = arith.constant 2 : i32
    %eq3A_162 = vector.broadcast %eq3A_161 : i32 to vector<16xi32>
    %eq3A_163 = arith.cmpi eq, %iota3A, %eq3A_162 : vector<16xi32>
    tpu.vector_store_idx %arg9[%get3A_151], %add3A_154 masked %eq3A_163 : memref<10000xi32, #tpu.memory_space<vmem>>[vector<16xi32>], vector<16xi32>, vector<16xi1>
    %eq3A_164 = arith.constant 3 : i32
    %eq3A_165 = vector.broadcast %eq3A_164 : i32 to vector<16xi32>
    %eq3A_166 = arith.cmpi eq, %iota3A, %eq3A_165 : vector<16xi32>
    tpu.vector_store_idx %arg9[%get3A_151], %add3A_154 masked %eq3A_166 : memref<10000xi32, #tpu.memory_space<vmem>>[vector<16xi32>], vector<16xi32>, vector<16xi1>
    %eq3A_167 = arith.constant 4 : i32
    %eq3A_168 = vector.broadcast %eq3A_167 : i32 to vector<16xi32>
    %eq3A_169 = arith.cmpi eq, %iota3A, %eq3A_168 : vector<16xi32>
    tpu.vector_store_idx %arg9[%get3A_151], %add3A_154 masked %eq3A_169 : memref<10000xi32, #tpu.memory_space<vmem>>[vector<16xi32>], vector<16xi32>, vector<16xi1>
    %eq3A_170 = arith.constant 5 : i32
    %eq3A_171 = vector.broadcast %eq3A_170 : i32 to vector<16xi32>
    %eq3A_172 = arith.cmpi eq, %iota3A, %eq3A_171 : vector<16xi32>
    tpu.vector_store_idx %arg9[%get3A_151], %add3A_154 masked %eq3A_172 : memref<10000xi32, #tpu.memory_space<vmem>>[vector<16xi32>], vector<16xi32>, vector<16xi1>
    %eq3A_173 = arith.constant 6 : i32
    %eq3A_174 = vector.broadcast %eq3A_173 : i32 to vector<16xi32>
    %eq3A_175 = arith.cmpi eq, %iota3A, %eq3A_174 : vector<16xi32>
    tpu.vector_store_idx %arg9[%get3A_151], %add3A_154 masked %eq3A_175 : memref<10000xi32, #tpu.memory_space<vmem>>[vector<16xi32>], vector<16xi32>, vector<16xi1>
    %eq3A_176 = arith.constant 7 : i32
    %eq3A_177 = vector.broadcast %eq3A_176 : i32 to vector<16xi32>
    %eq3A_178 = arith.cmpi eq, %iota3A, %eq3A_177 : vector<16xi32>
    tpu.vector_store_idx %arg9[%get3A_151], %add3A_154 masked %eq3A_178 : memref<10000xi32, #tpu.memory_space<vmem>>[vector<16xi32>], vector<16xi32>, vector<16xi1>
    %eq3A_179 = arith.constant 8 : i32
    %eq3A_180 = vector.broadcast %eq3A_179 : i32 to vector<16xi32>
    %eq3A_181 = arith.cmpi eq, %iota3A, %eq3A_180 : vector<16xi32>
    tpu.vector_store_idx %arg9[%get3A_151], %add3A_154 masked %eq3A_181 : memref<10000xi32, #tpu.memory_space<vmem>>[vector<16xi32>], vector<16xi32>, vector<16xi1>
    %eq3A_182 = arith.constant 9 : i32
    %eq3A_183 = vector.broadcast %eq3A_182 : i32 to vector<16xi32>
    %eq3A_184 = arith.cmpi eq, %iota3A, %eq3A_183 : vector<16xi32>
    tpu.vector_store_idx %arg9[%get3A_151], %add3A_154 masked %eq3A_184 : memref<10000xi32, #tpu.memory_space<vmem>>[vector<16xi32>], vector<16xi32>, vector<16xi1>
    %eq3A_185 = arith.constant 10 : i32
    %eq3A_186 = vector.broadcast %eq3A_185 : i32 to vector<16xi32>
    %eq3A_187 = arith.cmpi eq, %iota3A, %eq3A_186 : vector<16xi32>
    tpu.vector_store_idx %arg9[%get3A_151], %add3A_154 masked %eq3A_187 : memref<10000xi32, #tpu.memory_space<vmem>>[vector<16xi32>], vector<16xi32>, vector<16xi1>
    %eq3A_188 = arith.constant 11 : i32
    %eq3A_189 = vector.broadcast %eq3A_188 : i32 to vector<16xi32>
    %eq3A_190 = arith.cmpi eq, %iota3A, %eq3A_189 : vector<16xi32>
    tpu.vector_store_idx %arg9[%get3A_151], %add3A_154 masked %eq3A_190 : memref<10000xi32, #tpu.memory_space<vmem>>[vector<16xi32>], vector<16xi32>, vector<16xi1>
    %eq3A_191 = arith.constant 12 : i32
    %eq3A_192 = vector.broadcast %eq3A_191 : i32 to vector<16xi32>
    %eq3A_193 = arith.cmpi eq, %iota3A, %eq3A_192 : vector<16xi32>
    tpu.vector_store_idx %arg9[%get3A_151], %add3A_154 masked %eq3A_193 : memref<10000xi32, #tpu.memory_space<vmem>>[vector<16xi32>], vector<16xi32>, vector<16xi1>
    %eq3A_194 = arith.constant 13 : i32
    %eq3A_195 = vector.broadcast %eq3A_194 : i32 to vector<16xi32>
    %eq3A_196 = arith.cmpi eq, %iota3A, %eq3A_195 : vector<16xi32>
    tpu.vector_store_idx %arg9[%get3A_151], %add3A_154 masked %eq3A_196 : memref<10000xi32, #tpu.memory_space<vmem>>[vector<16xi32>], vector<16xi32>, vector<16xi1>
    %eq3A_197 = arith.constant 14 : i32
    %eq3A_198 = vector.broadcast %eq3A_197 : i32 to vector<16xi32>
    %eq3A_199 = arith.cmpi eq, %iota3A, %eq3A_198 : vector<16xi32>
    tpu.vector_store_idx %arg9[%get3A_151], %add3A_154 masked %eq3A_199 : memref<10000xi32, #tpu.memory_space<vmem>>[vector<16xi32>], vector<16xi32>, vector<16xi1>
    %eq3A_200 = arith.constant 15 : i32
    %eq3A_201 = vector.broadcast %eq3A_200 : i32 to vector<16xi32>
    %eq3A_202 = arith.cmpi eq, %iota3A, %eq3A_201 : vector<16xi32>
    tpu.vector_store_idx %arg9[%get3A_151], %add3A_154 masked %eq3A_202 : memref<10000xi32, #tpu.memory_space<vmem>>[vector<16xi32>], vector<16xi32>, vector<16xi1>
    %get3A_203 = arith.constant 48 : index
    %get3A_204 = tpu.vector_load %arg10[%get3A_203] {strides = array<i32>} : memref<64xi32, #tpu.memory_space<vmem>>, vector<16xi32>,
    %add3A_205 = arith.constant 49 : i32
    %add3A_206 = vector.broadcast %add3A_205 : i32 to vector<16xi32>
    %add3A_207 = arith.addi %iota3A, %add3A_206 : vector<16xi32>
    %eq3A_208 = arith.constant 0 : i32
    %eq3A_209 = vector.broadcast %eq3A_208 : i32 to vector<16xi32>
    %eq3A_210 = arith.cmpi eq, %iota3A, %eq3A_209 : vector<16xi32>
    tpu.vector_store_idx %arg9[%get3A_204], %add3A_207 masked %eq3A_210 : memref<10000xi32, #tpu.memory_space<vmem>>[vector<16xi32>], vector<16xi32>, vector<16xi1>
    %eq3A_211 = arith.constant 1 : i32
    %eq3A_212 = vector.broadcast %eq3A_211 : i32 to vector<16xi32>
    %eq3A_213 = arith.cmpi eq, %iota3A, %eq3A_212 : vector<16xi32>
    tpu.vector_store_idx %arg9[%get3A_204], %add3A_207 masked %eq3A_213 : memref<10000xi32, #tpu.memory_space<vmem>>[vector<16xi32>], vector<16xi32>, vector<16xi1>
    %eq3A_214 = arith.constant 2 : i32
    %eq3A_215 = vector.broadcast %eq3A_214 : i32 to vector<16xi32>
    %eq3A_216 = arith.cmpi eq, %iota3A, %eq3A_215 : vector<16xi32>
    tpu.vector_store_idx %arg9[%get3A_204], %add3A_207 masked %eq3A_216 : memref<10000xi32, #tpu.memory_space<vmem>>[vector<16xi32>], vector<16xi32>, vector<16xi1>
    %eq3A_217 = arith.constant 3 : i32
    %eq3A_218 = vector.broadcast %eq3A_217 : i32 to vector<16xi32>
    %eq3A_219 = arith.cmpi eq, %iota3A, %eq3A_218 : vector<16xi32>
    tpu.vector_store_idx %arg9[%get3A_204], %add3A_207 masked %eq3A_219 : memref<10000xi32, #tpu.memory_space<vmem>>[vector<16xi32>], vector<16xi32>, vector<16xi1>
    %eq3A_220 = arith.constant 4 : i32
    %eq3A_221 = vector.broadcast %eq3A_220 : i32 to vector<16xi32>
    %eq3A_222 = arith.cmpi eq, %iota3A, %eq3A_221 : vector<16xi32>
    tpu.vector_store_idx %arg9[%get3A_204], %add3A_207 masked %eq3A_222 : memref<10000xi32, #tpu.memory_space<vmem>>[vector<16xi32>], vector<16xi32>, vector<16xi1>
    %eq3A_223 = arith.constant 5 : i32
    %eq3A_224 = vector.broadcast %eq3A_223 : i32 to vector<16xi32>
    %eq3A_225 = arith.cmpi eq, %iota3A, %eq3A_224 : vector<16xi32>
    tpu.vector_store_idx %arg9[%get3A_204], %add3A_207 masked %eq3A_225 : memref<10000xi32, #tpu.memory_space<vmem>>[vector<16xi32>], vector<16xi32>, vector<16xi1>
    %eq3A_226 = arith.constant 6 : i32
    %eq3A_227 = vector.broadcast %eq3A_226 : i32 to vector<16xi32>
    %eq3A_228 = arith.cmpi eq, %iota3A, %eq3A_227 : vector<16xi32>
    tpu.vector_store_idx %arg9[%get3A_204], %add3A_207 masked %eq3A_228 : memref<10000xi32, #tpu.memory_space<vmem>>[vector<16xi32>], vector<16xi32>, vector<16xi1>
    %eq3A_229 = arith.constant 7 : i32
    %eq3A_230 = vector.broadcast %eq3A_229 : i32 to vector<16xi32>
    %eq3A_231 = arith.cmpi eq, %iota3A, %eq3A_230 : vector<16xi32>
    tpu.vector_store_idx %arg9[%get3A_204], %add3A_207 masked %eq3A_231 : memref<10000xi32, #tpu.memory_space<vmem>>[vector<16xi32>], vector<16xi32>, vector<16xi1>
    %eq3A_232 = arith.constant 8 : i32
    %eq3A_233 = vector.broadcast %eq3A_232 : i32 to vector<16xi32>
    %eq3A_234 = arith.cmpi eq, %iota3A, %eq3A_233 : vector<16xi32>
    tpu.vector_store_idx %arg9[%get3A_204], %add3A_207 masked %eq3A_234 : memref<10000xi32, #tpu.memory_space<vmem>>[vector<16xi32>], vector<16xi32>, vector<16xi1>
    %eq3A_235 = arith.constant 9 : i32
    %eq3A_236 = vector.broadcast %eq3A_235 : i32 to vector<16xi32>
    %eq3A_237 = arith.cmpi eq, %iota3A, %eq3A_236 : vector<16xi32>
    tpu.vector_store_idx %arg9[%get3A_204], %add3A_207 masked %eq3A_237 : memref<10000xi32, #tpu.memory_space<vmem>>[vector<16xi32>], vector<16xi32>, vector<16xi1>
    %eq3A_238 = arith.constant 10 : i32
    %eq3A_239 = vector.broadcast %eq3A_238 : i32 to vector<16xi32>
    %eq3A_240 = arith.cmpi eq, %iota3A, %eq3A_239 : vector<16xi32>
    tpu.vector_store_idx %arg9[%get3A_204], %add3A_207 masked %eq3A_240 : memref<10000xi32, #tpu.memory_space<vmem>>[vector<16xi32>], vector<16xi32>, vector<16xi1>
    %eq3A_241 = arith.constant 11 : i32
    %eq3A_242 = vector.broadcast %eq3A_241 : i32 to vector<16xi32>
    %eq3A_243 = arith.cmpi eq, %iota3A, %eq3A_242 : vector<16xi32>
    tpu.vector_store_idx %arg9[%get3A_204], %add3A_207 masked %eq3A_243 : memref<10000xi32, #tpu.memory_space<vmem>>[vector<16xi32>], vector<16xi32>, vector<16xi1>
    %eq3A_244 = arith.constant 12 : i32
    %eq3A_245 = vector.broadcast %eq3A_244 : i32 to vector<16xi32>
    %eq3A_246 = arith.cmpi eq, %iota3A, %eq3A_245 : vector<16xi32>
    tpu.vector_store_idx %arg9[%get3A_204], %add3A_207 masked %eq3A_246 : memref<10000xi32, #tpu.memory_space<vmem>>[vector<16xi32>], vector<16xi32>, vector<16xi1>
    %eq3A_247 = arith.constant 13 : i32
    %eq3A_248 = vector.broadcast %eq3A_247 : i32 to vector<16xi32>
    %eq3A_249 = arith.cmpi eq, %iota3A, %eq3A_248 : vector<16xi32>
    tpu.vector_store_idx %arg9[%get3A_204], %add3A_207 masked %eq3A_249 : memref<10000xi32, #tpu.memory_space<vmem>>[vector<16xi32>], vector<16xi32>, vector<16xi1>
    %eq3A_250 = arith.constant 14 : i32
    %eq3A_251 = vector.broadcast %eq3A_250 : i32 to vector<16xi32>
    %eq3A_252 = arith.cmpi eq, %iota3A, %eq3A_251 : vector<16xi32>
    tpu.vector_store_idx %arg9[%get3A_204], %add3A_207 masked %eq3A_252 : memref<10000xi32, #tpu.memory_space<vmem>>[vector<16xi32>], vector<16xi32>, vector<16xi1>
    %eq3A_253 = arith.constant 15 : i32
    %eq3A_254 = vector.broadcast %eq3A_253 : i32 to vector<16xi32>
    %eq3A_255 = arith.cmpi eq, %iota3A, %eq3A_254 : vector<16xi32>
    tpu.vector_store_idx %arg9[%get3A_204], %add3A_207 masked %eq3A_255 : memref<10000xi32, #tpu.memory_space<vmem>>[vector<16xi32>], vector<16xi32>, vector<16xi1>
    "tpu.trace_start"() <{level = 10 : i32, message = "ph_dmawait"}> : () -> ()
    %dma_wait3A = arith.constant 0 : i32
    %dma_wait3A_256 = tpu.memref_slice %arg3[%dma_wait3A, %mul3A_20] : memref<2x320000xi32, #tpu.memory_space<hbm>> -> memref<2x10112xi32, #tpu.memory_space<hbm>>
    %dma_wait3A_257 = arith.constant 0 : i32
    %dma_wait3A_258 = tpu.memref_slice %arg3[%dma_wait3A_257, %mul3A_20] : memref<2x320000xi32, #tpu.memory_space<hbm>> -> memref<2x10112xi32, #tpu.memory_space<hbm>>
    tpu.wait_dma2 semaphore(%arg16 : memref<!tpu.dma_semaphore, #tpu.memory_space<semaphore_mem>>) src(%dma_wait3A_258 : memref<2x10112xi32, #tpu.memory_space<hbm>>) dst(%arg8 : memref<2x10112xi32, #tpu.memory_space<vmem>>)
    "tpu.trace_stop"() : () -> ()
    "tpu.trace_start"() <{level = 10 : i32, message = "ph_match"}> : () -> ()
    %scan3A_259 = arith.constant 0 : i32
    %scan3A_260 = arith.constant 0 : i32
    %scan3A_261 = arith.constant 312 : i32
    %scan3A_262 = arith.addi %scan3A_260, %scan3A_261 : i32
    %scan3A_263 = arith.constant 1 : i32
    %scan3A_264 = scf.for %scan3A_332 = %scan3A_260 to %scan3A_262 step %scan3A_263 iter_args(%scan3A_333 = %scan3A_259) -> (i32)  : i32 {
      %mul3A_334 = arith.constant 2 : i32
      %mul3A_335 = arith.muli %mul3A_334, %scan3A_332 : i32
      %mul3A_336 = arith.constant 16 : i32
      %mul3A_337 = arith.muli %mul3A_335, %mul3A_336 : i32
      %add3A_338 = arith.addi %sub3A_21, %mul3A_337 : i32
      %get3A_339 = arith.constant 1 : i32
      %get3A_340 = arith.index_cast %get3A_339 : i32 to index
      %get3A_341 = arith.index_cast %add3A_338 : i32 to index
      %get3A_342 = tpu.vector_load %arg8[%get3A_340, %get3A_341] {strides = array<i32>} : memref<2x10112xi32, #tpu.memory_space<vmem>>, vector<16xi32>,
      %mul3A_343 = arith.constant 16 : i32
      %mul3A_344 = arith.muli %mul3A_335, %mul3A_343 : i32
      %add3A_345 = arith.addi %sub3A_21, %mul3A_344 : i32
      %get3A_346 = arith.constant 0 : i32
      %get3A_347 = arith.index_cast %get3A_346 : i32 to index
      %get3A_348 = arith.index_cast %add3A_345 : i32 to index
      %get3A_349 = tpu.vector_load %arg8[%get3A_347, %get3A_348] {strides = array<i32>} : memref<2x10112xi32, #tpu.memory_space<vmem>>, vector<16xi32>,
      %gather3A_350 = tpu.vector_load_idx %arg9[%get3A_342] : memref<10000xi32, #tpu.memory_space<vmem>>[vector<16xi32>], vector<16xi32>,
      %gt3A_351 = arith.constant 0 : i32
      %gt3A_352 = vector.broadcast %gt3A_351 : i32 to vector<16xi32>
      %gt3A_353 = arith.cmpi sgt, %gather3A_350, %gt3A_352 : vector<16xi32>
      %shift_left3A_354 = arith.constant 7 : i32
      %shift_left3A_355 = vector.broadcast %shift_left3A_354 : i32 to vector<16xi32>
      %shift_left3A_356 = arith.shli %get3A_349, %shift_left3A_355 : vector<16xi32>
      %sub3A_357 = arith.constant 1 : i32
      %sub3A_358 = vector.broadcast %sub3A_357 : i32 to vector<16xi32>
      %sub3A_359 = arith.subi %gather3A_350, %sub3A_358 : vector<16xi32>
      %or3A_360 = arith.ori %shift_left3A_356, %sub3A_359 : vector<16xi32>
      %swap3A_361 = arith.index_cast %scan3A_333 : i32 to index
      %swap3A_362 = tpu.vector_load %arg11[%swap3A_361] masked %gt3A_353 {strides = array<i32>} : memref<10144xi32, #tpu.memory_space<vmem>>, vector<16xi32>, vector<16xi1>
      tpu.vector_store %arg11[%swap3A_361], %or3A_360 masked %gt3A_353 {strides = array<i32>} : memref<10144xi32, #tpu.memory_space<vmem>>, vector<16xi32>, vector<16xi1>
      %all_reduce_population_count3A_363 = tpu.all_reduce %gt3A_353 {dim = 0 : i64, kind = #tpu.reduction_kind<sum>} : vector<16xi1> -> vector<16xi32>
      %slice3A_364 = vector.extract_strided_slice %all_reduce_population_count3A_363 {offsets = [0], sizes = [1], strides = [1]} : vector<16xi32> to vector<1xi32>
      %squeeze3A_365 = vector.extract %slice3A_364[0] : i32 from vector<1xi32>
      %add3A_366 = arith.addi %scan3A_333, %squeeze3A_365 : i32
      %mul3A_367 = arith.constant 2 : i32
      %mul3A_368 = arith.muli %mul3A_367, %scan3A_332 : i32
      %add3A_369 = arith.constant 1 : i32
      %add3A_370 = arith.addi %mul3A_368, %add3A_369 : i32
      %mul3A_371 = arith.constant 16 : i32
      %mul3A_372 = arith.muli %add3A_370, %mul3A_371 : i32
      %add3A_373 = arith.addi %sub3A_21, %mul3A_372 : i32
      %get3A_374 = arith.constant 1 : i32
      %get3A_375 = arith.index_cast %get3A_374 : i32 to index
      %get3A_376 = arith.index_cast %add3A_373 : i32 to index
      %get3A_377 = tpu.vector_load %arg8[%get3A_375, %get3A_376] {strides = array<i32>} : memref<2x10112xi32, #tpu.memory_space<vmem>>, vector<16xi32>,
      %mul3A_378 = arith.constant 16 : i32
      %mul3A_379 = arith.muli %add3A_370, %mul3A_378 : i32
      %add3A_380 = arith.addi %sub3A_21, %mul3A_379 : i32
      %get3A_381 = arith.constant 0 : i32
      %get3A_382 = arith.index_cast %get3A_381 : i32 to index
      %get3A_383 = arith.index_cast %add3A_380 : i32 to index
      %get3A_384 = tpu.vector_load %arg8[%get3A_382, %get3A_383] {strides = array<i32>} : memref<2x10112xi32, #tpu.memory_space<vmem>>, vector<16xi32>,
      %gather3A_385 = tpu.vector_load_idx %arg9[%get3A_377] : memref<10000xi32, #tpu.memory_space<vmem>>[vector<16xi32>], vector<16xi32>,
      %gt3A_386 = arith.constant 0 : i32
      %gt3A_387 = vector.broadcast %gt3A_386 : i32 to vector<16xi32>
      %gt3A_388 = arith.cmpi sgt, %gather3A_385, %gt3A_387 : vector<16xi32>
      %shift_left3A_389 = arith.constant 7 : i32
      %shift_left3A_390 = vector.broadcast %shift_left3A_389 : i32 to vector<16xi32>
      %shift_left3A_391 = arith.shli %get3A_384, %shift_left3A_390 : vector<16xi32>
      %sub3A_392 = arith.constant 1 : i32
      %sub3A_393 = vector.broadcast %sub3A_392 : i32 to vector<16xi32>
      %sub3A_394 = arith.subi %gather3A_385, %sub3A_393 : vector<16xi32>
      %or3A_395 = arith.ori %shift_left3A_391, %sub3A_394 : vector<16xi32>
      %swap3A_396 = arith.index_cast %add3A_366 : i32 to index
      %swap3A_397 = tpu.vector_load %arg11[%swap3A_396] masked %gt3A_388 {strides = array<i32>} : memref<10144xi32, #tpu.memory_space<vmem>>, vector<16xi32>, vector<16xi1>
      tpu.vector_store %arg11[%swap3A_396], %or3A_395 masked %gt3A_388 {strides = array<i32>} : memref<10144xi32, #tpu.memory_space<vmem>>, vector<16xi32>, vector<16xi1>
      %all_reduce_population_count3A_398 = tpu.all_reduce %gt3A_388 {dim = 0 : i64, kind = #tpu.reduction_kind<sum>} : vector<16xi1> -> vector<16xi32>
      %slice3A_399 = vector.extract_strided_slice %all_reduce_population_count3A_398 {offsets = [0], sizes = [1], strides = [1]} : vector<16xi32> to vector<1xi32>
      %squeeze3A_400 = vector.extract %slice3A_399[0] : i32 from vector<1xi32>
      %add3A_401 = arith.addi %add3A_366, %squeeze3A_400 : i32
      scf.yield %add3A_401 : i32
    }
    %scan3A_265 = arith.constant 312 : i32
    %add3A_266 = arith.constant 9984 : i32
    %add3A_267 = arith.addi %sub3A_21, %add3A_266 : i32
    %get3A_268 = arith.constant 1 : i32
    %get3A_269 = arith.index_cast %get3A_268 : i32 to index
    %get3A_270 = arith.index_cast %add3A_267 : i32 to index
    %get3A_271 = tpu.vector_load %arg8[%get3A_269, %get3A_270] {strides = array<i32>} : memref<2x10112xi32, #tpu.memory_space<vmem>>, vector<16xi32>,
    %add3A_272 = arith.constant 9984 : i32
    %add3A_273 = arith.addi %sub3A_21, %add3A_272 : i32
    %get3A_274 = arith.constant 0 : i32
    %get3A_275 = arith.index_cast %get3A_274 : i32 to index
    %get3A_276 = arith.index_cast %add3A_273 : i32 to index
    %get3A_277 = tpu.vector_load %arg8[%get3A_275, %get3A_276] {strides = array<i32>} : memref<2x10112xi32, #tpu.memory_space<vmem>>, vector<16xi32>,
    %gather3A = tpu.vector_load_idx %arg9[%get3A_271] : memref<10000xi32, #tpu.memory_space<vmem>>[vector<16xi32>], vector<16xi32>,
    %gt3A = arith.constant 0 : i32
    %gt3A_278 = vector.broadcast %gt3A : i32 to vector<16xi32>
    %gt3A_279 = arith.cmpi sgt, %gather3A, %gt3A_278 : vector<16xi32>
    %shift_left3A = arith.constant 7 : i32
    %shift_left3A_280 = vector.broadcast %shift_left3A : i32 to vector<16xi32>
    %shift_left3A_281 = arith.shli %get3A_277, %shift_left3A_280 : vector<16xi32>
    %sub3A_282 = arith.constant 1 : i32
    %sub3A_283 = vector.broadcast %sub3A_282 : i32 to vector<16xi32>
    %sub3A_284 = arith.subi %gather3A, %sub3A_283 : vector<16xi32>
    %or3A = arith.ori %shift_left3A_281, %sub3A_284 : vector<16xi32>
    %swap3A = arith.index_cast %scan3A_264 : i32 to index
    %swap3A_285 = tpu.vector_load %arg11[%swap3A] masked %gt3A_279 {strides = array<i32>} : memref<10144xi32, #tpu.memory_space<vmem>>, vector<16xi32>, vector<16xi1>
    tpu.vector_store %arg11[%swap3A], %or3A masked %gt3A_279 {strides = array<i32>} : memref<10144xi32, #tpu.memory_space<vmem>>, vector<16xi32>, vector<16xi1>
    %all_reduce_population_count3A = tpu.all_reduce %gt3A_279 {dim = 0 : i64, kind = #tpu.reduction_kind<sum>} : vector<16xi1> -> vector<16xi32>
    %slice3A = vector.extract_strided_slice %all_reduce_population_count3A {offsets = [0], sizes = [1], strides = [1]} : vector<16xi32> to vector<1xi32>
    %squeeze3A = vector.extract %slice3A[0] : i32 from vector<1xi32>
    %add3A_286 = arith.addi %scan3A_264, %squeeze3A : i32
    "tpu.trace_stop"() : () -> ()
    %add3A_287 = arith.constant 0 : i32
    %add3A_288 = arith.addi %add3A_286, %add3A_287 : i32
    %swap3A_289 = arith.index_cast %add3A_288 : i32 to index
    %swap3A_290 = tpu.vector_load %arg11[%swap3A_289] {strides = array<i32>} : memref<10144xi32, #tpu.memory_space<vmem>>, vector<16xi32>,
    tpu.vector_store %arg11[%swap3A_289], %broadcast_in_dim3A_31 {strides = array<i32>} : memref<10144xi32, #tpu.memory_space<vmem>>, vector<16xi32>,
    %barrier3A = arith.constant 0 : index
    tpu.barrier barrier_id(%barrier3A)
    %add3A_291 = arith.constant 15 : i32
    %add3A_292 = arith.addi %add3A_286, %add3A_291 : i32
    %jit3A_293 = arith.constant 16 : i32
    %div3A_294 = arith.divsi %add3A_292, %jit3A_293 : i32
    %sign3A_295 = arith.constant 0 : i32
    %sign3A_296 = arith.cmpi sgt, %add3A_292, %sign3A_295 : i32
    %sign3A_297 = arith.extui %sign3A_296 : i1 to i32
    %sign3A_298 = arith.constant 0 : i32
    %sign3A_299 = arith.cmpi slt, %add3A_292, %sign3A_298 : i32
    %sign3A_300 = arith.extui %sign3A_299 : i1 to i32
    %sign3A_301 = arith.subi %sign3A_297, %sign3A_300 : i32
    %sign3A_302 = arith.constant 0 : i32
    %sign3A_303 = arith.cmpi sgt, %jit3A_293, %sign3A_302 : i32
    %sign3A_304 = arith.extui %sign3A_303 : i1 to i32
    %sign3A_305 = arith.constant 0 : i32
    %sign3A_306 = arith.cmpi slt, %jit3A_293, %sign3A_305 : i32
    %sign3A_307 = arith.extui %sign3A_306 : i1 to i32
    %sign3A_308 = arith.subi %sign3A_304, %sign3A_307 : i32
    %ne3A_309 = arith.cmpi ne, %sign3A_301, %sign3A_308 : i32
    %rem3A_310 = arith.remsi %add3A_292, %jit3A_293 : i32
    %ne3A_311 = arith.constant 0 : i32
    %ne3A_312 = arith.cmpi ne, %rem3A_310, %ne3A_311 : i32
    %and3A_313 = arith.andi %ne3A_309, %ne3A_312 : i1
    %sub3A_314 = arith.constant 1 : i32
    %sub3A_315 = arith.subi %div3A_294, %sub3A_314 : i32
    %select_n3A_316 = arith.select %and3A_313, %sub3A_315, %div3A_294 : i32
    %while3A = arith.constant 0 : i32
    %while3A_317 = arith.constant 0 : i32
    "tpu.trace_start"() <{level = 10 : i32, message = "ph_chunks"}> : () -> ()
    %while3A_318 = arith.subi %select_n3A_316, %while3A_317 : i32
    %while3A_319 = arith.addi %while3A_317, %while3A_318 : i32
    %while3A_320 = arith.constant 1 : i32
    %while3A_321 = arith.divsi %while3A_318, %while3A_320 : i32
    %while3A_322 = arith.muli %while3A_321, %while3A_320 : i32
    %while3A_323 = arith.addi %while3A_317, %while3A_322 : i32
    %while3A_324 = arith.constant 1 : i32
    scf.for %while3A_332 = %while3A_317 to %while3A_323 step %while3A_324  : i32 {
      %mul3A_333 = arith.constant 16 : i32
      %mul3A_334 = arith.muli %while3A_332, %mul3A_333 : i32
      %get3A_335 = arith.index_cast %mul3A_334 : i32 to index
      %get3A_336 = tpu.vector_load %arg11[%get3A_335] {strides = array<i32>} : memref<10144xi32, #tpu.memory_space<vmem>>, vector<16xi32>,
      %shift_right_arithmetic3A = arith.constant 7 : i32
      %shift_right_arithmetic3A_337 = vector.broadcast %shift_right_arithmetic3A : i32 to vector<16xi32>
      %shift_right_arithmetic3A_338 = arith.shrsi %get3A_336, %shift_right_arithmetic3A_337 : vector<16xi32>
      %and3A_339 = arith.constant 127 : i32
      %and3A_340 = vector.broadcast %and3A_339 : i32 to vector<16xi32>
      %and3A_341 = arith.andi %get3A_336, %and3A_340 : vector<16xi32>
      %dma_start3A_342 = arith.constant 0 : i32
      %dma_start3A_343 = arith.constant 0 : i32
      %dma_start3A_344 = tpu.memref_slice %arg12[%dma_start3A_342, %dma_start3A_343] : memref<128x128xf32, #tpu.memory_space<vmem>> -> memref<16x128xf32, #tpu.memory_space<vmem>>
      %dma_start3A_345 = arith.constant 0 : i32
      %dma_start3A_346 = arith.constant 0 : i32
      %dma_start3A_347 = tpu.memref_slice %arg2[%dma_start3A_345, %dma_start3A_346] : memref<10000x128xf32, #tpu.memory_space<hbm>> -> memref<10000x128xf32, #tpu.memory_space<hbm>>
      tpu.enqueue_indirect_dma source(%dma_start3A_347 : memref<10000x128xf32, #tpu.memory_space<hbm>>) target(%dma_start3A_344 : memref<16x128xf32, #tpu.memory_space<vmem>>) offsets(%shift_right_arithmetic3A_338 : vector<16xi32>) semaphore(%arg16 : memref<!tpu.dma_semaphore, #tpu.memory_space<semaphore_mem>>)
      %dma_wait3A_348 = arith.constant 0 : i32
      %dma_wait3A_349 = arith.constant 0 : i32
      %dma_wait3A_350 = tpu.memref_slice %arg12[%dma_wait3A_348, %dma_wait3A_349] : memref<128x128xf32, #tpu.memory_space<vmem>> -> memref<16x128xf32, #tpu.memory_space<vmem>>
      %dma_wait3A_351 = arith.constant 0 : i32
      %dma_wait3A_352 = arith.constant 0 : i32
      %dma_wait3A_353 = tpu.memref_slice %arg2[%dma_wait3A_351, %dma_wait3A_352] : memref<10000x128xf32, #tpu.memory_space<hbm>> -> memref<10000x128xf32, #tpu.memory_space<hbm>>
      tpu.wait_indirect_dma semaphore(%arg16 : memref<!tpu.dma_semaphore, #tpu.memory_space<semaphore_mem>>) src(%dma_wait3A_353 : memref<10000x128xf32, #tpu.memory_space<hbm>>) dst(%dma_wait3A_350 : memref<16x128xf32, #tpu.memory_space<vmem>>)
      "tpu.region"() ({
        %run_scoped3A = tpu.sem_alloc : memref<!tpu.dma_semaphore, #tpu.memory_space<semaphore_mem>>
        %dma_start3A_354 = arith.constant 0 : i32
        %dma_start3A_355 = arith.constant 0 : i32
        %dma_start3A_356 = tpu.memref_slice %arg12[%dma_start3A_354, %dma_start3A_355] : memref<128x128xf32, #tpu.memory_space<vmem>> -> memref<16x128xf32, #tpu.memory_space<vmem>>
        %dma_start3A_357 = arith.constant 0 : i32
        %dma_start3A_358 = arith.constant 0 : i32
        %dma_start3A_359 = tpu.memref_slice %arg15[%dma_start3A_357, %dma_start3A_358] : memref<72x128xf32, #tpu.memory_space<vmem_shared>> -> memref<72x128xf32, #tpu.memory_space<vmem_shared>>
        tpu.enqueue_indirect_dma source(%dma_start3A_356 : memref<16x128xf32, #tpu.memory_space<vmem>>) target(%dma_start3A_359 : memref<72x128xf32, #tpu.memory_space<vmem_shared>>) offsets(%and3A_341 : vector<16xi32>) semaphore(%run_scoped3A : memref<!tpu.dma_semaphore, #tpu.memory_space<semaphore_mem>>) {add = true}
        %dma_wait3A_360 = arith.constant 0 : i32
        %dma_wait3A_361 = arith.constant 0 : i32
        %dma_wait3A_362 = tpu.memref_slice %arg12[%dma_wait3A_360, %dma_wait3A_361] : memref<128x128xf32, #tpu.memory_space<vmem>> -> memref<16x128xf32, #tpu.memory_space<vmem>>
        %dma_wait3A_363 = arith.constant 0 : i32
        %dma_wait3A_364 = arith.constant 0 : i32
        %dma_wait3A_365 = tpu.memref_slice %arg15[%dma_wait3A_363, %dma_wait3A_364] : memref<72x128xf32, #tpu.memory_space<vmem_shared>> -> memref<72x128xf32, #tpu.memory_space<vmem_shared>>
        tpu.wait_indirect_dma semaphore(%run_scoped3A : memref<!tpu.dma_semaphore, #tpu.memory_space<semaphore_mem>>) src(%dma_wait3A_362 : memref<16x128xf32, #tpu.memory_space<vmem>>) dst(%dma_wait3A_365 : memref<72x128xf32, #tpu.memory_space<vmem_shared>>)
        tpu.yield
      }) : () -> ()
      tpu.vector_store_idx %arg13[%and3A_341, %iota3A], %broadcast_in_dim3A_27 {add = true} : memref<72x16xf32, #tpu.memory_space<vmem>>[vector<16xi32>, vector<16xi32>], vector<16xf32>,
    }
    %while3A_325 = arith.constant 1 : i32
    scf.for %while3A_332 = %while3A_323 to %while3A_319 step %while3A_325  : i32 {
      %mul3A_333 = arith.constant 16 : i32
      %mul3A_334 = arith.muli %while3A_332, %mul3A_333 : i32
      %get3A_335 = arith.index_cast %mul3A_334 : i32 to index
      %get3A_336 = tpu.vector_load %arg11[%get3A_335] {strides = array<i32>} : memref<10144xi32, #tpu.memory_space<vmem>>, vector<16xi32>,
      %shift_right_arithmetic3A = arith.constant 7 : i32
      %shift_right_arithmetic3A_337 = vector.broadcast %shift_right_arithmetic3A : i32 to vector<16xi32>
      %shift_right_arithmetic3A_338 = arith.shrsi %get3A_336, %shift_right_arithmetic3A_337 : vector<16xi32>
      %and3A_339 = arith.constant 127 : i32
      %and3A_340 = vector.broadcast %and3A_339 : i32 to vector<16xi32>
      %and3A_341 = arith.andi %get3A_336, %and3A_340 : vector<16xi32>
      %dma_start3A_342 = arith.constant 0 : i32
      %dma_start3A_343 = arith.constant 0 : i32
      %dma_start3A_344 = tpu.memref_slice %arg12[%dma_start3A_342, %dma_start3A_343] : memref<128x128xf32, #tpu.memory_space<vmem>> -> memref<16x128xf32, #tpu.memory_space<vmem>>
      %dma_start3A_345 = arith.constant 0 : i32
      %dma_start3A_346 = arith.constant 0 : i32
      %dma_start3A_347 = tpu.memref_slice %arg2[%dma_start3A_345, %dma_start3A_346] : memref<10000x128xf32, #tpu.memory_space<hbm>> -> memref<10000x128xf32, #tpu.memory_space<hbm>>
      tpu.enqueue_indirect_dma source(%dma_start3A_347 : memref<10000x128xf32, #tpu.memory_space<hbm>>) target(%dma_start3A_344 : memref<16x128xf32, #tpu.memory_space<vmem>>) offsets(%shift_right_arithmetic3A_338 : vector<16xi32>) semaphore(%arg16 : memref<!tpu.dma_semaphore, #tpu.memory_space<semaphore_mem>>)
      %dma_wait3A_348 = arith.constant 0 : i32
      %dma_wait3A_349 = arith.constant 0 : i32
      %dma_wait3A_350 = tpu.memref_slice %arg12[%dma_wait3A_348, %dma_wait3A_349] : memref<128x128xf32, #tpu.memory_space<vmem>> -> memref<16x128xf32, #tpu.memory_space<vmem>>
      %dma_wait3A_351 = arith.constant 0 : i32
      %dma_wait3A_352 = arith.constant 0 : i32
      %dma_wait3A_353 = tpu.memref_slice %arg2[%dma_wait3A_351, %dma_wait3A_352] : memref<10000x128xf32, #tpu.memory_space<hbm>> -> memref<10000x128xf32, #tpu.memory_space<hbm>>
      tpu.wait_indirect_dma semaphore(%arg16 : memref<!tpu.dma_semaphore, #tpu.memory_space<semaphore_mem>>) src(%dma_wait3A_353 : memref<10000x128xf32, #tpu.memory_space<hbm>>) dst(%dma_wait3A_350 : memref<16x128xf32, #tpu.memory_space<vmem>>)
      "tpu.region"() ({
        %run_scoped3A = tpu.sem_alloc : memref<!tpu.dma_semaphore, #tpu.memory_space<semaphore_mem>>
        %dma_start3A_354 = arith.constant 0 : i32
        %dma_start3A_355 = arith.constant 0 : i32
        %dma_start3A_356 = tpu.memref_slice %arg12[%dma_start3A_354, %dma_start3A_355] : memref<128x128xf32, #tpu.memory_space<vmem>> -> memref<16x128xf32, #tpu.memory_space<vmem>>
        %dma_start3A_357 = arith.constant 0 : i32
        %dma_start3A_358 = arith.constant 0 : i32
        %dma_start3A_359 = tpu.memref_slice %arg15[%dma_start3A_357, %dma_start3A_358] : memref<72x128xf32, #tpu.memory_space<vmem_shared>> -> memref<72x128xf32, #tpu.memory_space<vmem_shared>>
        tpu.enqueue_indirect_dma source(%dma_start3A_356 : memref<16x128xf32, #tpu.memory_space<vmem>>) target(%dma_start3A_359 : memref<72x128xf32, #tpu.memory_space<vmem_shared>>) offsets(%and3A_341 : vector<16xi32>) semaphore(%run_scoped3A : memref<!tpu.dma_semaphore, #tpu.memory_space<semaphore_mem>>) {add = true}
        %dma_wait3A_360 = arith.constant 0 : i32
        %dma_wait3A_361 = arith.constant 0 : i32
        %dma_wait3A_362 = tpu.memref_slice %arg12[%dma_wait3A_360, %dma_wait3A_361] : memref<128x128xf32, #tpu.memory_space<vmem>> -> memref<16x128xf32, #tpu.memory_space<vmem>>
        %dma_wait3A_363 = arith.constant 0 : i32
        %dma_wait3A_364 = arith.constant 0 : i32
        %dma_wait3A_365 = tpu.memref_slice %arg15[%dma_wait3A_363, %dma_wait3A_364] : memref<72x128xf32, #tpu.memory_space<vmem_shared>> -> memref<72x128xf32, #tpu.memory_space<vmem_shared>>
        tpu.wait_indirect_dma semaphore(%run_scoped3A : memref<!tpu.dma_semaphore, #tpu.memory_space<semaphore_mem>>) src(%dma_wait3A_362 : memref<16x128xf32, #tpu.memory_space<vmem>>) dst(%dma_wait3A_365 : memref<72x128xf32, #tpu.memory_space<vmem_shared>>)
        tpu.yield
      }) : () -> ()
      tpu.vector_store_idx %arg13[%and3A_341, %iota3A], %broadcast_in_dim3A_27 {add = true} : memref<72x16xf32, #tpu.memory_space<vmem>>[vector<16xi32>, vector<16xi32>], vector<16xf32>,
    }
    "tpu.trace_stop"() : () -> ()
    "tpu.region"() ({
      %run_scoped3A = tpu.sem_alloc : memref<!tpu.dma_semaphore, #tpu.memory_space<semaphore_mem>>
      %dma_start3A_332 = arith.constant 0 : i32
      %dma_start3A_333 = arith.constant 0 : i32
      %dma_start3A_334 = tpu.memref_slice %arg6[%add3A, %dma_start3A_332, %dma_start3A_333] : memref<32x72x16xf32, #tpu.memory_space<hbm>> -> memref<1x72x16xf32, #tpu.memory_space<hbm>>
      %dma_start3A_335 = tpu.memref_squeeze %dma_start3A_334 : memref<1x72x16xf32, #tpu.memory_space<hbm>> -> memref<72x16xf32, #tpu.memory_space<hbm>>
      %dma_start3A_336 = arith.constant 0 : i32
      %dma_start3A_337 = arith.constant 0 : i32
      %dma_start3A_338 = tpu.memref_slice %arg6[%add3A, %dma_start3A_336, %dma_start3A_337] : memref<32x72x16xf32, #tpu.memory_space<hbm>> -> memref<1x72x16xf32, #tpu.memory_space<hbm>>
      %dma_start3A_339 = tpu.memref_squeeze %dma_start3A_338 : memref<1x72x16xf32, #tpu.memory_space<hbm>> -> memref<72x16xf32, #tpu.memory_space<hbm>>
      tpu.enqueue_dma source(%arg13 : memref<72x16xf32, #tpu.memory_space<vmem>>) target(%dma_start3A_339 : memref<72x16xf32, #tpu.memory_space<hbm>>) target_semaphore(%run_scoped3A : memref<!tpu.dma_semaphore, #tpu.memory_space<semaphore_mem>>)
      %dma_wait3A_340 = arith.constant 0 : i32
      %dma_wait3A_341 = arith.constant 0 : i32
      %dma_wait3A_342 = tpu.memref_slice %arg6[%add3A, %dma_wait3A_340, %dma_wait3A_341] : memref<32x72x16xf32, #tpu.memory_space<hbm>> -> memref<1x72x16xf32, #tpu.memory_space<hbm>>
      %dma_wait3A_343 = tpu.memref_squeeze %dma_wait3A_342 : memref<1x72x16xf32, #tpu.memory_space<hbm>> -> memref<72x16xf32, #tpu.memory_space<hbm>>
      %dma_wait3A_344 = arith.constant 0 : i32
      %dma_wait3A_345 = arith.constant 0 : i32
      %dma_wait3A_346 = tpu.memref_slice %arg6[%add3A, %dma_wait3A_344, %dma_wait3A_345] : memref<32x72x16xf32, #tpu.memory_space<hbm>> -> memref<1x72x16xf32, #tpu.memory_space<hbm>>
      %dma_wait3A_347 = tpu.memref_squeeze %dma_wait3A_346 : memref<1x72x16xf32, #tpu.memory_space<hbm>> -> memref<72x16xf32, #tpu.memory_space<hbm>>
      tpu.wait_dma2 semaphore(%run_scoped3A : memref<!tpu.dma_semaphore, #tpu.memory_space<semaphore_mem>>) src(%arg13 : memref<72x16xf32, #tpu.memory_space<vmem>>) dst(%dma_wait3A_347 : memref<72x16xf32, #tpu.memory_space<hbm>>)
      tpu.yield
    }) : () -> ()
    %barrier3A_326 = arith.constant 0 : index
    tpu.barrier barrier_id(%barrier3A_326)
    %eq3A_327 = arith.constant 0 : i32
    %eq3A_328 = arith.cmpi eq, %arg1, %eq3A_327 : i32
    %convert_element_type3A_329 = arith.extui %eq3A_328 : i1 to i32
    %cond3A_330 = arith.constant 0 : i32
    %cond3A_331 = arith.cmpi ne, %convert_element_type3A_329, %cond3A_330 : i32
    scf.if %cond3A_331 {
      %get3A_332 = arith.constant 0 : index
      %get3A_333 = tpu.vector_load %arg10[%get3A_332] {strides = array<i32>} : memref<64xi32, #tpu.memory_space<vmem>>, vector<16xi32>,
      %gather3A_334 = tpu.vector_load_idx %arg9[%get3A_333] : memref<10000xi32, #tpu.memory_space<vmem>>[vector<16xi32>], vector<16xi32>,
      %swap3A_335 = arith.constant 0 : index
      %swap3A_336 = tpu.vector_load %arg14[%swap3A_335] {strides = array<i32>} : memref<64xi32, #tpu.memory_space<vmem>>, vector<16xi32>,
      tpu.vector_store %arg14[%swap3A_335], %gather3A_334 {strides = array<i32>} : memref<64xi32, #tpu.memory_space<vmem>>, vector<16xi32>,
      %get3A_337 = arith.constant 16 : index
      %get3A_338 = tpu.vector_load %arg10[%get3A_337] {strides = array<i32>} : memref<64xi32, #tpu.memory_space<vmem>>, vector<16xi32>,
      %gather3A_339 = tpu.vector_load_idx %arg9[%get3A_338] : memref<10000xi32, #tpu.memory_space<vmem>>[vector<16xi32>], vector<16xi32>,
      %swap3A_340 = arith.constant 16 : index
      %swap3A_341 = tpu.vector_load %arg14[%swap3A_340] {strides = array<i32>} : memref<64xi32, #tpu.memory_space<vmem>>, vector<16xi32>,
      tpu.vector_store %arg14[%swap3A_340], %gather3A_339 {strides = array<i32>} : memref<64xi32, #tpu.memory_space<vmem>>, vector<16xi32>,
      %get3A_342 = arith.constant 32 : index
      %get3A_343 = tpu.vector_load %arg10[%get3A_342] {strides = array<i32>} : memref<64xi32, #tpu.memory_space<vmem>>, vector<16xi32>,
      %gather3A_344 = tpu.vector_load_idx %arg9[%get3A_343] : memref<10000xi32, #tpu.memory_space<vmem>>[vector<16xi32>], vector<16xi32>,
      %swap3A_345 = arith.constant 32 : index
      %swap3A_346 = tpu.vector_load %arg14[%swap3A_345] {strides = array<i32>} : memref<64xi32, #tpu.memory_space<vmem>>, vector<16xi32>,
      tpu.vector_store %arg14[%swap3A_345], %gather3A_344 {strides = array<i32>} : memref<64xi32, #tpu.memory_space<vmem>>, vector<16xi32>,
      %get3A_347 = arith.constant 48 : index
      %get3A_348 = tpu.vector_load %arg10[%get3A_347] {strides = array<i32>} : memref<64xi32, #tpu.memory_space<vmem>>, vector<16xi32>,
      %gather3A_349 = tpu.vector_load_idx %arg9[%get3A_348] : memref<10000xi32, #tpu.memory_space<vmem>>[vector<16xi32>], vector<16xi32>,
      %swap3A_350 = arith.constant 48 : index
      %swap3A_351 = tpu.vector_load %arg14[%swap3A_350] {strides = array<i32>} : memref<64xi32, #tpu.memory_space<vmem>>, vector<16xi32>,
      tpu.vector_store %arg14[%swap3A_350], %gather3A_349 {strides = array<i32>} : memref<64xi32, #tpu.memory_space<vmem>>, vector<16xi32>,
      "tpu.region"() ({
        %run_scoped3A = tpu.sem_alloc : memref<!tpu.dma_semaphore, #tpu.memory_space<semaphore_mem>>
        %dma_start3A_352 = arith.constant 0 : i32
        %dma_start3A_353 = tpu.memref_slice %arg7[%arg0, %dma_start3A_352] : memref<2x64xi32, #tpu.memory_space<hbm>> -> memref<1x64xi32, #tpu.memory_space<hbm>>
        %dma_start3A_354 = tpu.memref_squeeze %dma_start3A_353 : memref<1x64xi32, #tpu.memory_space<hbm>> -> memref<64xi32, #tpu.memory_space<hbm>>
        %dma_start3A_355 = arith.constant 0 : i32
        %dma_start3A_356 = tpu.memref_slice %arg7[%arg0, %dma_start3A_355] : memref<2x64xi32, #tpu.memory_space<hbm>> -> memref<1x64xi32, #tpu.memory_space<hbm>>
        %dma_start3A_357 = tpu.memref_squeeze %dma_start3A_356 : memref<1x64xi32, #tpu.memory_space<hbm>> -> memref<64xi32, #tpu.memory_space<hbm>>
        tpu.enqueue_dma source(%arg14 : memref<64xi32, #tpu.memory_space<vmem>>) target(%dma_start3A_357 : memref<64xi32, #tpu.memory_space<hbm>>) target_semaphore(%run_scoped3A : memref<!tpu.dma_semaphore, #tpu.memory_space<semaphore_mem>>)
        %dma_wait3A_358 = arith.constant 0 : i32
        %dma_wait3A_359 = tpu.memref_slice %arg7[%arg0, %dma_wait3A_358] : memref<2x64xi32, #tpu.memory_space<hbm>> -> memref<1x64xi32, #tpu.memory_space<hbm>>
        %dma_wait3A_360 = tpu.memref_squeeze %dma_wait3A_359 : memref<1x64xi32, #tpu.memory_space<hbm>> -> memref<64xi32, #tpu.memory_space<hbm>>
        %dma_wait3A_361 = arith.constant 0 : i32
        %dma_wait3A_362 = tpu.memref_slice %arg7[%arg0, %dma_wait3A_361] : memref<2x64xi32, #tpu.memory_space<hbm>> -> memref<1x64xi32, #tpu.memory_space<hbm>>
        %dma_wait3A_363 = tpu.memref_squeeze %dma_wait3A_362 : memref<1x64xi32, #tpu.memory_space<hbm>> -> memref<64xi32, #tpu.memory_space<hbm>>
        tpu.wait_dma2 semaphore(%run_scoped3A : memref<!tpu.dma_semaphore, #tpu.memory_space<semaphore_mem>>) src(%arg14 : memref<64xi32, #tpu.memory_space<vmem>>) dst(%dma_wait3A_363 : memref<64xi32, #tpu.memory_space<hbm>>)
        tpu.yield
      }) : () -> ()
      "tpu.region"() ({
        %run_scoped3A = tpu.sem_alloc : memref<!tpu.dma_semaphore, #tpu.memory_space<semaphore_mem>>
        %dma_start3A_352 = arith.constant 0 : i32
        %dma_start3A_353 = arith.constant 0 : i32
        %dma_start3A_354 = tpu.memref_slice %arg12[%dma_start3A_352, %dma_start3A_353] : memref<128x128xf32, #tpu.memory_space<vmem>> -> memref<72x128xf32, #tpu.memory_space<vmem>>
        %dma_start3A_355 = arith.constant 0 : i32
        %dma_start3A_356 = arith.constant 0 : i32
        %dma_start3A_357 = tpu.memref_slice %arg12[%dma_start3A_355, %dma_start3A_356] : memref<128x128xf32, #tpu.memory_space<vmem>> -> memref<72x128xf32, #tpu.memory_space<vmem>>
        tpu.enqueue_dma source(%arg15 : memref<72x128xf32, #tpu.memory_space<vmem_shared>>) target(%dma_start3A_357 : memref<72x128xf32, #tpu.memory_space<vmem>>) target_semaphore(%run_scoped3A : memref<!tpu.dma_semaphore, #tpu.memory_space<semaphore_mem>>)
        %dma_wait3A_358 = arith.constant 0 : i32
        %dma_wait3A_359 = arith.constant 0 : i32
        %dma_wait3A_360 = tpu.memref_slice %arg12[%dma_wait3A_358, %dma_wait3A_359] : memref<128x128xf32, #tpu.memory_space<vmem>> -> memref<72x128xf32, #tpu.memory_space<vmem>>
        %dma_wait3A_361 = arith.constant 0 : i32
        %dma_wait3A_362 = arith.constant 0 : i32
        %dma_wait3A_363 = tpu.memref_slice %arg12[%dma_wait3A_361, %dma_wait3A_362] : memref<128x128xf32, #tpu.memory_space<vmem>> -> memref<72x128xf32, #tpu.memory_space<vmem>>
        tpu.wait_dma2 semaphore(%run_scoped3A : memref<!tpu.dma_semaphore, #tpu.memory_space<semaphore_mem>>) src(%arg15 : memref<72x128xf32, #tpu.memory_space<vmem_shared>>) dst(%dma_wait3A_363 : memref<72x128xf32, #tpu.memory_space<vmem>>)
        tpu.yield
      }) : () -> ()
      "tpu.region"() ({
        %run_scoped3A = tpu.sem_alloc : memref<!tpu.dma_semaphore, #tpu.memory_space<semaphore_mem>>
        %dma_start3A_352 = arith.constant 0 : i32
        %dma_start3A_353 = arith.constant 0 : i32
        %dma_start3A_354 = tpu.memref_slice %arg12[%dma_start3A_352, %dma_start3A_353] : memref<128x128xf32, #tpu.memory_space<vmem>> -> memref<72x128xf32, #tpu.memory_space<vmem>>
        %dma_start3A_355 = arith.constant 0 : i32
        %dma_start3A_356 = arith.constant 0 : i32
        %dma_start3A_357 = tpu.memref_slice %arg5[%arg0, %dma_start3A_355, %dma_start3A_356] : memref<2x72x128xf32, #tpu.memory_space<hbm>> -> memref<1x72x128xf32, #tpu.memory_space<hbm>>
        %dma_start3A_358 = tpu.memref_squeeze %dma_start3A_357 : memref<1x72x128xf32, #tpu.memory_space<hbm>> -> memref<72x128xf32, #tpu.memory_space<hbm>>
        %dma_start3A_359 = arith.constant 0 : i32
        %dma_start3A_360 = arith.constant 0 : i32
        %dma_start3A_361 = tpu.memref_slice %arg5[%arg0, %dma_start3A_359, %dma_start3A_360] : memref<2x72x128xf32, #tpu.memory_space<hbm>> -> memref<1x72x128xf32, #tpu.memory_space<hbm>>
        %dma_start3A_362 = tpu.memref_squeeze %dma_start3A_361 : memref<1x72x128xf32, #tpu.memory_space<hbm>> -> memref<72x128xf32, #tpu.memory_space<hbm>>
        %dma_start3A_363 = arith.constant 0 : i32
        %dma_start3A_364 = arith.constant 0 : i32
        %dma_start3A_365 = tpu.memref_slice %arg12[%dma_start3A_363, %dma_start3A_364] : memref<128x128xf32, #tpu.memory_space<vmem>> -> memref<72x128xf32, #tpu.memory_space<vmem>>
        tpu.enqueue_dma source(%dma_start3A_365 : memref<72x128xf32, #tpu.memory_space<vmem>>) target(%dma_start3A_362 : memref<72x128xf32, #tpu.memory_space<hbm>>) target_semaphore(%run_scoped3A : memref<!tpu.dma_semaphore, #tpu.memory_space<semaphore_mem>>)
        %dma_wait3A_366 = arith.constant 0 : i32
        %dma_wait3A_367 = arith.constant 0 : i32
        %dma_wait3A_368 = tpu.memref_slice %arg12[%dma_wait3A_366, %dma_wait3A_367] : memref<128x128xf32, #tpu.memory_space<vmem>> -> memref<72x128xf32, #tpu.memory_space<vmem>>
        %dma_wait3A_369 = arith.constant 0 : i32
        %dma_wait3A_370 = arith.constant 0 : i32
        %dma_wait3A_371 = tpu.memref_slice %arg5[%arg0, %dma_wait3A_369, %dma_wait3A_370] : memref<2x72x128xf32, #tpu.memory_space<hbm>> -> memref<1x72x128xf32, #tpu.memory_space<hbm>>
        %dma_wait3A_372 = tpu.memref_squeeze %dma_wait3A_371 : memref<1x72x128xf32, #tpu.memory_space<hbm>> -> memref<72x128xf32, #tpu.memory_space<hbm>>
        %dma_wait3A_373 = arith.constant 0 : i32
        %dma_wait3A_374 = arith.constant 0 : i32
        %dma_wait3A_375 = tpu.memref_slice %arg5[%arg0, %dma_wait3A_373, %dma_wait3A_374] : memref<2x72x128xf32, #tpu.memory_space<hbm>> -> memref<1x72x128xf32, #tpu.memory_space<hbm>>
        %dma_wait3A_376 = tpu.memref_squeeze %dma_wait3A_375 : memref<1x72x128xf32, #tpu.memory_space<hbm>> -> memref<72x128xf32, #tpu.memory_space<hbm>>
        %dma_wait3A_377 = arith.constant 0 : i32
        %dma_wait3A_378 = arith.constant 0 : i32
        %dma_wait3A_379 = tpu.memref_slice %arg12[%dma_wait3A_377, %dma_wait3A_378] : memref<128x128xf32, #tpu.memory_space<vmem>> -> memref<72x128xf32, #tpu.memory_space<vmem>>
        tpu.wait_dma2 semaphore(%run_scoped3A : memref<!tpu.dma_semaphore, #tpu.memory_space<semaphore_mem>>) src(%dma_wait3A_379 : memref<72x128xf32, #tpu.memory_space<vmem>>) dst(%dma_wait3A_376 : memref<72x128xf32, #tpu.memory_space<hbm>>)
        tpu.yield
      }) : () -> ()
    } else {
    }
    return
  }
}

module attributes {stable_mosaic.version = 14 : i64} {
  func.func @_tc_body(%arg0: memref<2x72x128xf32, #tpu.memory_space<vmem>>, %arg1: memref<32x72x16xf32, #tpu.memory_space<vmem>>, %arg2: memref<2x64xi32, #tpu.memory_space<vmem>>, %arg3: memref<128x128xf32, #tpu.memory_space<vmem>>, %arg4: memref<1x128xf32, #tpu.memory_space<vmem>>, %arg5: memref<128x1xf32, #tpu.memory_space<vmem>>, %arg6: memref<1x1xf32, #tpu.memory_space<vmem>>, %arg7: memref<1x64xf32, #tpu.memory_space<vmem>>) attributes {dimension_semantics = [], scalar_prefetch = 0 : i64, scratch_operands = 0 : i64, tpu.core_type = #tpu.core_type<tc>} {
    %get3A = arith.constant 0 : index
    %get3A_0 = arith.constant 0 : index
    %get3A_1 = arith.constant 0 : index
    %get3A_2 = vector.load %arg0[%get3A, %get3A_0, %get3A_1] : memref<2x72x128xf32, #tpu.memory_space<vmem>>, vector<1x72x128xf32>
    %get3A_3 = vector.shape_cast %get3A_2 : vector<1x72x128xf32> to vector<72x128xf32>
    %get3A_4 = arith.constant 1 : index
    %get3A_5 = arith.constant 0 : index
    %get3A_6 = arith.constant 0 : index
    %get3A_7 = vector.load %arg0[%get3A_4, %get3A_5, %get3A_6] : memref<2x72x128xf32, #tpu.memory_space<vmem>>, vector<1x72x128xf32>
    %get3A_8 = vector.shape_cast %get3A_7 : vector<1x72x128xf32> to vector<72x128xf32>
    %add3A = arith.addf %get3A_3, %get3A_8 : vector<72x128xf32>
    %get3A_9 = arith.constant 0 : index
    %get3A_10 = arith.constant 0 : index
    %get3A_11 = arith.constant 0 : index
    %get3A_12 = vector.load %arg1[%get3A_9, %get3A_10, %get3A_11] : memref<32x72x16xf32, #tpu.memory_space<vmem>>, vector<32x72x16xf32>
    %reduce_sum3A = arith.constant dense<0.000000e+00> : vector<72x16xf32>
    %reduce_sum3A_13 = vector.multi_reduction <add>, %get3A_12, %reduce_sum3A [0] : vector<32x72x16xf32> to vector<72x16xf32>
    %get3A_14 = arith.constant 0 : index
    %get3A_15 = arith.constant 0 : index
    %get3A_16 = vector.load %arg2[%get3A_14, %get3A_15] : memref<2x64xi32, #tpu.memory_space<vmem>>, vector<1x64xi32>
    %sub3A = arith.constant 1 : i32
    %sub3A_17 = vector.broadcast %sub3A : i32 to vector<1x64xi32>
    %sub3A_18 = arith.subi %get3A_16, %sub3A_17 : vector<1x64xi32>
    %iota3A = tpu.iota {dimensions = array<i32: 0>} : vector<72x64xi32>
    %broadcast_in_dim3A = vector.shape_cast %sub3A_18 : vector<1x64xi32> to vector<1x64xi32>
    %broadcast_in_dim3A_19 = vector.broadcast %broadcast_in_dim3A : vector<1x64xi32> to vector<72x64xi32>
    %eq3A = arith.cmpi eq, %iota3A, %broadcast_in_dim3A_19 : vector<72x64xi32>
    %convert_element_type3A = arith.extui %eq3A : vector<72x64xi1> to vector<72x64xi32>
    %convert_element_type3A_20 = arith.sitofp %convert_element_type3A : vector<72x64xi32> to vector<72x64xf32>
    %dot_general3A = arith.constant dense<0.000000e+00> : vector<64x128xf32>
    %dot_general3A_21 = tpu.matmul %convert_element_type3A_20, %add3A, %dot_general3A {dimension_numbers = #tpu.dot_dimension_numbers<[0], [0], [1], [1], [0, 1, 1, 1], [], []>, transpose_lhs_hint = false} : vector<72x64xf32>, vector<72x128xf32>, vector<64x128xf32> -> vector<64x128xf32>
    %dot_general3A_22 = arith.constant dense<0.000000e+00> : vector<64x16xf32>
    %dot_general3A_23 = tpu.matmul %convert_element_type3A_20, %reduce_sum3A_13, %dot_general3A_22 {dimension_numbers = #tpu.dot_dimension_numbers<[0], [0], [1], [1], [0, 1, 1, 1], [], []>, transpose_lhs_hint = false} : vector<72x64xf32>, vector<72x16xf32>, vector<64x16xf32> -> vector<64x16xf32>
    %reduce_sum3A_24 = arith.constant dense<0.000000e+00> : vector<64xf32>
    %reduce_sum3A_25 = vector.multi_reduction <add>, %dot_general3A_23, %reduce_sum3A_24 [1] : vector<64x16xf32> to vector<64xf32>
    %broadcast_in_dim3A_26 = vector.shape_cast %reduce_sum3A_25 : vector<64xf32> to vector<64x1xf32>
    %max3A = arith.constant 1.000000e+00 : f32
    %max3A_27 = vector.broadcast %max3A : f32 to vector<64x1xf32>
    %max3A_28 = arith.maximumf %broadcast_in_dim3A_26, %max3A_27 : vector<64x1xf32>
    %div3A = vector.broadcast %max3A_28 : vector<64x1xf32> to vector<64x128xf32>
    %div3A_29 = arith.divf %dot_general3A_21, %div3A : vector<64x128xf32>
    %get3A_30 = arith.constant 0 : index
    %get3A_31 = arith.constant 0 : index
    %get3A_32 = vector.load %arg3[%get3A_30, %get3A_31] : memref<128x128xf32, #tpu.memory_space<vmem>>, vector<128x128xf32>
    %dot_general3A_33 = arith.constant dense<0.000000e+00> : vector<64x128xf32>
    %dot_general3A_34 = tpu.matmul %div3A_29, %get3A_32, %dot_general3A_33 {dimension_numbers = #tpu.dot_dimension_numbers<[1], [0], [0], [1], [0, 0, 1, 1], [], []>, transpose_lhs_hint = false} : vector<64x128xf32>, vector<128x128xf32>, vector<64x128xf32> -> vector<64x128xf32>
    %get3A_35 = arith.constant 0 : index
    %get3A_36 = arith.constant 0 : index
    %get3A_37 = vector.load %arg4[%get3A_35, %get3A_36] : memref<1x128xf32, #tpu.memory_space<vmem>>, vector<1x128xf32>
    %add3A_38 = vector.broadcast %get3A_37 : vector<1x128xf32> to vector<64x128xf32>
    %add3A_39 = arith.addf %dot_general3A_34, %add3A_38 : vector<64x128xf32>
    %max3A_40 = arith.constant 0.000000e+00 : f32
    %max3A_41 = vector.broadcast %max3A_40 : f32 to vector<64x128xf32>
    %max3A_42 = arith.maximumf %add3A_39, %max3A_41 : vector<64x128xf32>
    %get3A_43 = arith.constant 0 : index
    %get3A_44 = arith.constant 0 : index
    %get3A_45 = vector.load %arg5[%get3A_43, %get3A_44] : memref<128x1xf32, #tpu.memory_space<vmem>>, vector<128x1xf32>
    %dot_general3A_46 = arith.constant dense<0.000000e+00> : vector<1x64xf32>
    %dot_general3A_47 = tpu.matmul %get3A_45, %max3A_42, %dot_general3A_46 {dimension_numbers = #tpu.dot_dimension_numbers<[0], [1], [1], [0], [0, 1, 1, 0], [], []>, transpose_lhs_hint = false} : vector<128x1xf32>, vector<64x128xf32>, vector<1x64xf32> -> vector<1x64xf32>
    %get3A_48 = arith.constant 0 : index
    %get3A_49 = arith.constant 0 : index
    %get3A_50 = vector.load %arg6[%get3A_48, %get3A_49] : memref<1x1xf32, #tpu.memory_space<vmem>>, vector<1x1xf32>
    %add3A_51 = vector.broadcast %get3A_50 : vector<1x1xf32> to vector<1x64xf32>
    %add3A_52 = arith.addf %dot_general3A_47, %add3A_51 : vector<1x64xf32>
    %swap3A = arith.constant 0 : index
    %swap3A_53 = arith.constant 0 : index
    %swap3A_54 = vector.load %arg7[%swap3A, %swap3A_53] : memref<1x64xf32, #tpu.memory_space<vmem>>, vector<1x64xf32>
    tpu.vector_store %arg7[%swap3A, %swap3A_53], %add3A_52 {strides = array<i32>} : memref<1x64xf32, #tpu.memory_space<vmem>>, vector<1x64xf32>,
    return
  }
}

</mosaic_0001>

<sc_bundles>
// kernel: kernel.4.cloned.1.call-start
scs
__scs_entry_jumppad:
0x0: {  	(pc) =	sbr.rel $0x88, $3  }
0x1: {  	(tag) =	ssettag $0x0;
	lr =	simm.s32 $0x1  }
0x2: {  	[smem:$0x3F9A] =	sst lr;
	_ =	strace $0xD0000000  }
0x3: {  	_ = 	snop  }
0x4: {  	_ = 	snop  }
0x5: {  	_ = 	snop  }
0x6: {  	_ = 	snop  }
0x7: {  	_ = 	snop  }
__scs_overlays_trampoline_lowered:
0x8: {  	[smem:$0x3FA9] =	sst s0  }
0x9: {  	[smem:$0x3FAA] =	sst s1  }
0xa: {  	[smem:$0x3FAB] =	sst s2  }
0xb: {  	[smem:$0x3FAC] =	sst s3  }
0xc: {  	[smem:$0x3FAD] =	sst s4  }
0xd: {  	[smem:$0x3FAE] =	sst s5  }
0xe: {  	[smem:$0x3FAF] =	sst s6  }
0xf: {  	[smem:$0x3FB0] =	sst s7  }
0x10: {  	[smem:$0x3FB1] =	sst s8  }
0x11: {  	[smem:$0x3FB2] =	sst s9;
	s0 =	simm.s32 @!p0 $0x0  }
0x12: {  	s1 =	sld [smem:$0x3F98];
	s0 =	simm.s32 @p0 $0x1  }
0x13: {  	[smem:$0x3FB3] =	sst s0;
	s0 =	simm.s32 @!p1 $0x0  }
0x14: {  	s2 =	sld [smem:$0x3F97];
	s0 =	simm.s32 @p1 $0x1  }
0x15: {  	[smem:$0x3FB4] =	sst s0;
	s0 =	simm.s32 @!p2 $0x0  }
0x16: {  	s3 =	sld [smem:$0x3FDB];
	s0 =	simm.s32 @p2 $0x1  }
0x17: {  	s4 =	simm.s32 $0x1BF5;
	[smem:$0x3FB6] =	sst s0  }
0x18: {  	s0 =	sld [smem:$0x3F99];
	_ =	swait.ge [sflag:s4], $0x0  }
0x19: {  	s7 =	sld [smem:$0x3F9A]  }
0x1a: {  	s8 =	sadd.s32 $0xFFFFE003, lr  }
0x1b: {  	s9 =	sadd.s32 $0xFFFFFEF7, lr;
	s5 =	simm.s32 $0xFFFFFFFF;
	p2 =	slt.u32 s8, $0xFFFFF086  }
0x1c: {  	p1 =	slt.u32 s9, $0xF7A;
	s5 =	simm.s32 @!p2 $0x0  }
0x1d: {  	s5 =	simm.s32 @p1 $0x1;
	p0 =	seq.s32 s7, s2  }
0x1e: {  	s7 =	smul.u32 @!p0 $0xF7A, s2;
	p2 =	seq.s32 @!p0 s5, $0x0  }
0x1f: {  	s9 =	smul.u32 $0xF7A, s1;
	s8 =	simm.s32 @!p0 $0x1BF5;
	p2 =	por !p2, p0  }
0x20: {  	[sflag:s8] =	ssyncset.s32 @!p0 $0xFFFFF086;
	s6 =	sadd.s32 @!p0 s3, s7;
	s7 =	simm.s32 @!p0 $0x108  }
0x21: {  	s3 =	sadd.s32 s3, s9;
	s6 =	sadd.s32 @!p0 $0x88, s6;
	s7 =	simm.s32 @p2 $0x1082  }
0x22: {  	[simem:s7], [sflag:s8] =	dma.local @!p0 [hbm:s6], $0xF7A  }
0x23: {  	s9 =	sor.u32 $0xD0000000, s2;
	s6 =	simm.s32 $0x108;
	_ =	swait.ge @!p0 [sflag:s8], $0x0  }
0x24: {  	s3 =	sadd.s32 $0x88, s3;
	s6 =	simm.s32 @!p1 $0x1082;
	[sflag:s4] =	ssyncset.s32 $0xFFFFF086  }
0x25: {  	[simem:s6], [sflag:s4] =	dma.local [hbm:s3], $0xF7A  }
0x26: {  	[smem:$0x3F9A] =	sst s1;
	(tag) =	ssettag s2;
	_ =	strace s9  }
0x27: {  	s1 =	sld [smem:$0x3FAA]  }
0x28: {  	s2 =	sld [smem:$0x3FAB]  }
0x29: {  	s4 =	sld [smem:$0x3FAD]  }
0x2a: {  	p0 =	seq.s32 s5, $0x0;
	s5 =	sld [smem:$0x3FAE]  }
0x2b: {  	s6 =	sld [smem:$0x3FAF]  }
0x2c: {  	s7 =	sld [smem:$0x3FB0]  }
0x2d: {  	s3 =	simm.s32 $0x108;
	s8 =	sld [smem:$0x3FB1]  }
0x2e: {  	s3 =	simm.s32 @!p0 $0x1082;
	s9 =	sld [smem:$0x3FB2]  }
0x2f: {  	lr =	sadd.s32 s0, s3;
	s0 =	sld [smem:$0x3FA9]  }
0x30: {  	s3 =	sld [smem:$0x3FAC]  }
0x31: {  	[smem:$0x3FB5] =	sst s10  }
0x32: {  	s10 =	sld [smem:$0x3FB3];
	_ =	sdelay $0x3  }
0x33: {  	p0 =	seq.s32 s10, $0x1;
	s10 =	sld [smem:$0x3FB5];
	_ =	sdelay $0x3  }
0x34: {  	[smem:$0x3FB5] =	sst s10  }
0x35: {  	s10 =	sld [smem:$0x3FB4];
	_ =	sdelay $0x3  }
0x36: {  	p1 =	seq.s32 s10, $0x1;
	s10 =	sld [smem:$0x3FB5];
	_ =	sdelay $0x3  }
0x37: {  	[smem:$0x3FB5] =	sst s10  }
0x38: {  	s10 =	sld [smem:$0x3FB6]  }
0x39: {  	_ = 	snop;
	(pc) =	sbr.ind lr, $3  }
0x3a: {  	_ = 	snop  }
0x3b: {  	_ = 	snop  }
0x3c: {  	p2 =	seq.s32 s10, $0x1;
	s10 =	sld [smem:$0x3FB5]  }
0x3d: {  	_ =	shalt  }
0x3e: {  	_ =	shalt  }
0x3f: {  	_ =	shalt  }
0x40: {  	_ =	shalt  }
0x41: {  	_ =	shalt  }
0x42: {  	_ =	shalt  }
0x43: {  	_ =	shalt  }
0x44: {  	_ =	shalt  }
0x45: {  	_ =	shalt  }
0x46: {  	_ =	shalt  }
0x47: {  	_ =	shalt  }
0x48: {  	_ =	shalt  }
0x49: {  	_ =	shalt  }
0x4a: {  	_ =	shalt  }
0x4b: {  	_ =	shalt  }
0x4c: {  	_ =	shalt  }
0x4d: {  	_ =	shalt  }
0x4e: {  	_ =	shalt  }
0x4f: {  	_ =	shalt  }
0x50: {  	_ =	shalt  }
0x51: {  	_ =	shalt  }
0x52: {  	_ =	shalt  }
0x53: {  	_ =	shalt  }
0x54: {  	_ =	shalt  }
0x55: {  	_ =	shalt  }
0x56: {  	_ =	shalt  }
0x57: {  	_ =	shalt  }
0x58: {  	_ =	shalt  }
0x59: {  	_ =	shalt  }
0x5a: {  	_ =	shalt  }
0x5b: {  	_ =	shalt  }
0x5c: {  	_ =	shalt  }
0x5d: {  	_ =	shalt  }
0x5e: {  	_ =	shalt  }
0x5f: {  	_ =	shalt  }
0x60: {  	_ =	shalt  }
0x61: {  	_ =	shalt  }
0x62: {  	_ =	shalt  }
0x63: {  	_ =	shalt  }
0x64: {  	_ =	shalt  }
0x65: {  	_ =	shalt  }
0x66: {  	_ =	shalt  }
0x67: {  	_ =	shalt  }
0x68: {  	_ =	shalt  }
0x69: {  	_ =	shalt  }
0x6a: {  	_ =	shalt  }
0x6b: {  	_ =	shalt  }
0x6c: {  	_ =	shalt  }
0x6d: {  	_ =	shalt  }
0x6e: {  	_ =	shalt  }
0x6f: {  	_ =	shalt  }
0x70: {  	_ =	shalt  }
0x71: {  	_ =	shalt  }
0x72: {  	_ =	shalt  }
0x73: {  	_ =	shalt  }
0x74: {  	_ =	shalt  }
0x75: {  	_ =	shalt  }
0x76: {  	_ =	shalt  }
0x77: {  	_ =	shalt  }
0x78: {  	_ =	shalt  }
0x79: {  	_ =	shalt  }
0x7a: {  	_ =	shalt  }
0x7b: {  	_ =	shalt  }
0x7c: {  	_ =	shalt  }
0x7d: {  	_ =	shalt  }
0x7e: {  	_ =	shalt  }
0x7f: {  	_ =	shalt  }
0x80: {  	_ =	shalt  }
0x81: {  	_ =	shalt  }
0x82: {  	_ =	shalt  }
0x83: {  	_ =	shalt  }
0x84: {  	_ =	shalt  }
0x85: {  	_ =	shalt  }
0x86: {  	_ =	shalt  }
0x87: {  	_ =	shalt  }
.Lfunc_end0:
.L_simem_size_0:
called_computation_lowered:
.L_overlay_start_0:
0x88: {  	s2 =	sld [smem:$0x3FD9]  }
0x89: {  	s3 =	sld [smem:$0x3FFE];
	_ =	sdelay $0x1  }
0x8a: {  	s1 =	srdreg.scid  }
0x8b: {  	s0 =	sand.u32 $0x1, s1  }
0x8c: {  	s17 =	sshll.u32 s0, $0xA;
	s2 =	sadd.s32 s3, s2  }
0x8d: {  	s2 =	sadd.s32 s2, s17  }
0x8e: {  	[smem:$0x3FC1] =	sst s2  }
0x8f: {  	_ = 	snop  }
0x90: {  	s2 =	sld [smem:$0x3FC9]  }
0x91: {  	s18 =	sld [smem:$0x3FC8]  }
0x92: {  	s4 =	sld [smem:$0x3FC7];
	(tm) =	ssettm $0x1  }
0x93: {  	s5 =	sld [smem:$0x3FFB];
	_ =	sdelay $0x3  }
0x94: {  	_ =	strace s5  }
0x95: {  	s5 =	sld [smem:$0x3FFC];
	_ =	sdelay $0x3  }
0x96: {  	_ =	strace s5  }
0x97: {  	s5 =	sld [smem:$0x3FFD];
	_ =	sdelay $0x3  }
0x98: {  	_ =	strace s5  }
0x99: {  	_ =	strace $0x8FFFFFFF  }
0x9a: {  	s19 =	sld [smem:$0x3FDB];
	_ =	sdelay $0x1  }
0x9b: {  	s6 =	simm.s32 $_scs_section_size  }
0x9c: {  	s7 =	simm.s32 $_size__tile_overlayer_lowered;
	s8 =	simm.s32 $_tile_overlayer_lowered  }
0x9d: {  	s22 =	simm.s32 $0x1BFF;
	s21 =	sshll.u32 s8, $0x1;
	s5 =	sadd.s32 s6, s19  }
0x9e: {  	s9 =	simm.s32 $0x0;
	s20 =	sshll.u32 s7, $0x1;
	s7 =	sadd.s32 s21, s5  }
0x9f: {  	[timem:s9], [sflag:s22] =	dma.local [hbm:s7], s20  }
0xa0: {  	_ =	swait.ge [sflag:s22], s20  }
0xa1: {  	s6 =	ssub.s32 $0x0, s20;
	[sflag:s22] =	ssyncset.done $0x0  }
0xa2: {  	[sflag:s22] =	ssyncadd.s32 s6;
	_ =	sdelay $0x1  }
0xa3: {  	s23 =	simm.s32 $0x1B8B  }
0xa4: {  	_ =	swait.ge [sflag:s23], $0x1  }
0xa5: {  	[sflag:s23] =	ssyncset.done $0x0  }
0xa6: {  	s25 =	simm.s32 $0x1B8E;
	s24 =	sld [smem:$0x3FFE];
	[sflag:s23] =	ssyncadd.s32 $0xFFFFFFFF  }
0xa7: {  	s26 =	simm.s32 $execute0_lowered;
	[smem:$0x3FD2] =	sst s25  }
0xa8: {  	s7 =	sshll.u32 s26, $0x1;
	_ =	strace $0x80000046;
	[dreg:$0x1] =	wrdreg $0xFFFFFFFF  }
0xa9: {  	s28 =	simm.s32 $_size_execute0_lowered;
	s5 =	sadd.s32 s5, s7;
	[dreg:$0x0] =	wrdreg $0x0  }
0xaa: {  	s7 =	sshll.u32 s28, $0x1;
	[dreg:$0x2] =	wrdreg s5  }
0xab: {  	[dreg:$0x3] =	wrdreg s7  }
0xac: {  	[dreg:$0x4] =	wrdreg $0xC0  }
0xad: {  	_ =	task [dreg:s9], $0x5FFFF  }
0xae: {  	[dreg:$0x1] =	wrdreg $0xFFFFFFFF  }
0xaf: {  	[dreg:$0x0] =	wrdreg $0x60  }
0xb0: {  	[dreg:$0x2] =	wrdreg s2  }
0xb1: {  	[dreg:$0x3] =	wrdreg s18  }
0xb2: {  	[dreg:$0x4] =	wrdreg s4  }
0xb3: {  	[dreg:$0x5] =	wrdreg s24  }
0xb4: {  	[dreg:$0x6] =	wrdreg $0x103800  }
0xb5: {  	[dreg:$0x7] =	wrdreg $0x9  }
0xb6: {  	_ =	task.clear_ibuf [dreg:s9], $0x8FFFF;
	_ =	strace $0x90000046  }
0xb7: {  	s29 =	simm.s32 $0x9;
	_ =	strace $0x8000004C  }
0xb8: {  	_ =	swait.ge [sflag:s29], $0x1  }
0xb9: {  	[sflag:s29] =	ssyncadd.s32 $0xFFFFFFFF  }
0xba: {  	_ =	strace $0x9000004C  }
0xbb: {  	_ =	sfence  }
0xbc: {  	s30 =	sld [smem:$0x0];
	_ =	sdelay $0x2  }
0xbd: {  	s31 =	sshll.u32 s1, $0xD;
	s1 =	sshrl.u32 s1, $0x2  }
0xbe: {  	s3 =	sand.u32 $0x4000, s31;
	s1 =	sadd.s32 s1, s30  }
0xbf: {  	s0 =	sor.u32 s3, s0;
	s1 =	sshll.u32 s1, $0x11  }
0xc0: {  	s0 =	sor.u32 s1, s0  }
0xc1: {  	s0 =	sadd.s32 $0x8F2B, s0  }
0xc2: {  	[sflag:s0] =	ssyncadd.remote.s32 $0x1  }
0xc3: {  	_ =	sfence.sel $0xFFFF  }
0xc4: {  	[dreg:$0x0] =	wrdreg $0xFFFFFFFF;
	(pc) =	sbr.abs _section_cstart, $3  }
0xc5: {  	[dreg:$0x1] =	wrdreg $0xFFFFFFFF  }
0xc6: {  	_ =	task.clear_ibuf [dreg:s9], $0x2FFFF;
	_ =	strace $0x9FFFFFFF  }
0xc7: {  	(tm) =	ssettm $0x7FFFFFFF  }
tec
execute0_lowered:
.L_overlay_start_1:
0x0: {  	(tag) =	ssettag $0x1  }
0x1: {  	s0 =	rddreg [dreg:$0x0]  }
0x2: {  	s6 =	rddreg [dreg:$0x1]  }
0x3: {  	s2 =	rddreg [dreg:$0x2]  }
0x4: {  	s5 =	rddreg [dreg:$0x3];
	s1 =	srdreg.scid  }
0x5: {  	s3 =	rddreg [dreg:$0x4];
	s15 =	stileid.u32  }
0x6: {  	s4 =	simm.s32 $0x0;
	s16 =	simm.s32 $0x1;
	s17 =	simm.s32 $0x9F00  }
0x7: {  	s18 =	simm.s32 $0xDF00;
	s7 =	sand.u32 $0x1, s1;
	s1 =	rddreg [dreg:$0x5]  }
0x8: {  	s19 =	simm.s32 $0x0;
	[smem:$0x7FF] =	sst s4;
	s12 =	smul.u32 $0x2710, s15  }
0x9: {  	p0 =	sne.s32 s15, $0x0;
	s8 =	sshll.u32 s7, $0x4;
	s9 =	smul.u32 $0x480, s7  }
0xa: {  	_ =	strace $0x80000047;
	s7 =	ssub.s32 $0x2, s7;
	s10 =	sor.u32 s15, s8  }
0xb: {  	v0 =	vlaneseq.u32;
	v1 =	vimm.f32 $0.0e+00;
	v2 =	vimm.s32 $0x0;
	s8 =	sadd.s32 s8, s5;
	s29 =	sshrl.u32 s7, $0x1;
	s12 =	sshrl.u32 s12, $0x4  }
0xc: {  	vm1 =	vcmask $0xB08;
	vm2 =	vcmask $0xF0C;
	vm3 =	vcmask $0x1310;
	s15 =	simm.s32 $0x4F00;
	s11 =	smul.u32 $0x480, s10;
	s9 =	sadd.s32 s9, s5  }
0xd: {  	vm4 =	vcmask $0x1714;
	vm5 =	vcmask $0x1B18;
	vm6 =	vcmask $0x1F1C;
	s10 =	smul.u32 $0x2710, s10;
	s14 =	ssub.s32 s7, s29;
	s12 =	sand.u32 $0x7, s12  }
.Ltmp0:
0xe: {  	vm7 =	vcmask $0x2320;
	vm8 =	vcmask $0x2724;
	vm9 =	vcmask $0x2B28;
	s8 =	sadd.s32 $0xAE00, s8;
	s31 =	sshll.u32 s12, $0x5;
	(pc) =	sbr.rel .LBB2_1-.Ltmp0, $4  }
0xf: {  	vm10 =	vcmask $0x2F2C;
	vm11 =	vcmask $0x3330;
	vm12 =	vcmask $0x3734;
	s9 =	sadd.s32 $0xA400, s9;
	s12 =	sshll.u32 s12, $0x4;
	s11 =	sadd.s32 s11, s5  }
0x10: {  	vm13 =	vcmask $0x3B38;
	vm14 =	vcmask $0x3F3C;
	v7 =	vimm.s32 $0x40;
	s13 =	sshrl.u32 s10, $0x2;
	s5 =	sand.u32 $0x70, s10;
	s10 =	smax.u32 s14, $0x1  }
0x11: {  	vm15 =	vmmov $0xffff;
	v8 =	vimm.f32 $1.000000000e+00;
	v3 =	vadd.s32 $0x1, v0;
	s14 =	simm.s32 $0x2;
	s30 =	sand.u32 $0x1FFE0, s13;
	s7 =	sadd.s32 $0x1400, s11  }
0x12: {  	v4 =	vadd.s32 $0x11, v0;
	v5 =	vadd.s32 $0x21, v0;
	v6 =	vadd.s32 $0x31, v0;
	s11 =	sadd.s32 $0x20, s31;
	s13 =	simm.s32 $0x7680;
	s6 =	sadd.s32 s6, s30  }
.LBB2_10:
0x13: {  	_ =	sdelay $0x3  }
0x14: {  	[tilespmem:v9+s18+$0x0] =	vst.idx.add.f32.msk $0xffff, v8  }
.LBB2_11:
0x15: {  	_ =	strace $0x9000004B  }
0x16: {  	[hbm4b:s7+s4] =	stream.linear.scatter [tilespmem:s18], [sflag:$0x2], $0x2400, $0x38;
	[tilespmem:$0x105C0] =	vst v63  }
0x17: {  	_ =	swait.ge [sflag:s14], $0x2400  }
0x18: {  	[sflag:s14] =	ssyncset.done $0x0  }
0x19: {  	[sflag:s14] =	ssyncadd.s32 $0xFFFFDC00  }
0x1a: {  	[bflag:$0x0] =	sbarrier.arrive $0xFFFF  }
0x1b: {  	v9 =	vld @!p0 [tilespmem:$0x7680];
	_ =	sdelay $0x5  }
0x1c: {  	v10 =	vld @!p0 [tilespmem:$0x7690]  }
0x1d: {  	s20 =	simm.s32 @!p0 $0x4F00  }
0x1e: {  	v9 =	vld.idx.msk @!p0 [tilespmem:v9+s20+$0x0], $0xffff;
	_ =	sdelay $0x3  }
0x1f: {  	v11 =	vld @!p0 [tilespmem:$0x76A0]  }
0x20: {  	[tilespmem:$0x10300] =	vst @!p0 v9  }
0x21: {  	v9 =	vld.idx.msk @!p0 [tilespmem:v10+s20+$0x0], $0xffff;
	_ =	sdelay $0x3  }
0x22: {  	v10 =	vld @!p0 [tilespmem:$0x76B0]  }
0x23: {  	[tilespmem:$0x10310] =	vst @!p0 v9  }
0x24: {  	v9 =	vld.idx.msk @!p0 [tilespmem:v11+s20+$0x0], $0xffff;
	_ =	sdelay $0x4  }
0x25: {  	[tilespmem:$0x10320] =	vst @!p0 v9  }
0x26: {  	v9 =	vld.idx.msk @!p0 [tilespmem:v10+s20+$0x0], $0xffff;
	_ =	sdelay $0x4  }
0x27: {  	s21 =	simm.s32 @!p0 $0x10300;
	s20 =	simm.s32 @!p0 $0x0;
	[tilespmem:$0x10330] =	vst @!p0 v9  }
0x28: {  	[hbm4b:s8+s20] =	stream.linear.scatter @!p0 [tilespmem:s21], [sflag:$0x2], $0x80, $0x38;
	[tilespmem:$0x105C0] =	vst v63  }
0x29: {  	s21 =	simm.s32 @!p0 $0x2  }
0x2a: {  	_ =	swait.ge @!p0 [sflag:s21], $0x80  }
0x2b: {  	[sflag:s21] =	ssyncset.done @!p0 $0x0  }
0x2c: {  	s22 =	simm.s32 @!p0 $0x9F00;
	[sflag:s21] =	ssyncadd.s32 @!p0 $0xFFFFFF80  }
0x2d: {  	[tilespmem:s22], [sflag:$0x2] =	stream.linear.gather @!p0 [spmem:s3], $0x2400, $0x38;
	[tilespmem:$0x105C0] =	vst v63  }
0x2e: {  	s19 =	sadd.s32 $0x1, s19;
	_ =	swait.ge @!p0 [sflag:s21], $0x2400  }
0x2f: {  	p1 =	sne.s32 s19, s10;
	[sflag:s21] =	ssyncset.done @!p0 $0x0  }
.Ltmp1:
0x30: {  	[sflag:s21] =	ssyncadd.s32 @!p0 $0xFFFFDC00;
	(pc) =	sbr.rel @!p1 .LBB2_12-.Ltmp1, $4  }
0x31: {  	[hbm4b:s9+s20] =	stream.linear.scatter @!p0 [tilespmem:s22], [sflag:$0x2], $0x2400, $0x38;
	[tilespmem:$0x105C0] =	vst v63  }
0x32: {  	_ =	swait.ge @!p0 [sflag:s21], $0x2400  }
0x33: {  	[sflag:s21] =	ssyncset.done @!p0 $0x0  }
0x34: {  	[sflag:s21] =	ssyncadd.s32 @!p0 $0xFFFFDC00  }
.LBB2_1:
0x35: {  	[tilespmem:s4], [sflag:$0x1] =	stream.linear.gather [hbm4b:s6+s4], $0x4F00, $0x38;
	[tilespmem:$0x105C0] =	vst v63  }
0x36: {  	_ = 	snop  }
0x37: {  	[tilespmem:s13], [sflag:$0x2] =	stream.linear.gather [hbm4b:s2+s4], $0x80, $0x38;
	[tilespmem:$0x105C0] =	vst v63  }
0x38: {  	_ =	swait.ge [sflag:s14], $0x80  }
0x39: {  	[sflag:s14] =	ssyncset.done $0x0  }
0x3a: {  	s20 =	simm.s32 $0x0;
	s21 =	simm.s32 $0x200;
	[sflag:s14] =	ssyncadd.s32 $0xFFFFFF80  }
.LBB2_2:
0x3b: {  	p1 =	sne.s32 s21, $0x8E00;
	[tilespmem:s20+$0x9F70] =	vst v1  }
0x3c: {  	[tilespmem:s20+$0xDF00] =	vst v1  }
0x3d: {  	[tilespmem:s20+$0x9F00] =	vst v1  }
0x3e: {  	[tilespmem:s20+$0x9F10] =	vst v1  }
.Ltmp2:
0x3f: {  	[tilespmem:s20+$0x9F20] =	vst v1;
	(pc) =	sbr.rel @p1 .LBB2_2-.Ltmp2, $4  }
0x40: {  	[tilespmem:s20+$0x9F30] =	vst v1  }
0x41: {  	[tilespmem:s20+$0x9F40] =	vst v1  }
0x42: {  	[tilespmem:s20+$0x9F50] =	vst v1  }
0x43: {  	[tilespmem:s20+$0x9F60] =	vst v1;
	s20 =	sshra.s32 s21, $0x2;
	s21 =	sadd.s32 $0x200, s21  }
0x44: {  	[tilespmem:s20+$0x9F70] =	vst v1  }
0x45: {  	[tilespmem:s20+$0xDF00] =	vst v1  }
0x46: {  	[tilespmem:s20+$0x9F00] =	vst v1  }
0x47: {  	[tilespmem:s20+$0x9F10] =	vst v1  }
0x48: {  	[tilespmem:s20+$0x9F20] =	vst v1  }
0x49: {  	[tilespmem:s20+$0x9F30] =	vst v1  }
0x4a: {  	[tilespmem:s20+$0x9F40] =	vst v1  }
0x4b: {  	[tilespmem:s20+$0x9F50] =	vst v1  }
0x4c: {  	[tilespmem:s20+$0x9F60] =	vst v1;
	s20 =	simm.s32 @!p0 $0x9F00  }
0x4d: {  	[spmem:s3] =	stream.linear.scatter @!p0 [tilespmem:s20], [sflag:$0x2], $0x2400, $0x38;
	[tilespmem:$0x105C0] =	vst v63  }
0x4e: {  	s20 =	simm.s32 @!p0 $0x2  }
0x4f: {  	_ =	swait.ge @!p0 [sflag:s20], $0x2400  }
0x50: {  	[sflag:s20] =	ssyncset.done @!p0 $0x0  }
0x51: {  	[sflag:s20] =	ssyncadd.s32 @!p0 $0xFFFFDC00  }
0x52: {  	s21 =	simm.s32 $0x140;
	s20 =	simm.s32 $0x0;
	_ =	strace $0x80000048  }
.LBB2_4:
0x53: {  	p1 =	sne.s32 s21, $0x9B00;
	[tilespmem:s20+$0x4F40] =	vst v2;
	s22 =	smov.u32 s21;
	s21 =	sadd.s32 $0x140, s21  }
.Ltmp3:
0x54: {  	[tilespmem:s20+$0x4F30] =	vst v2;
	(pc) =	sbr.rel @p1 .LBB2_4-.Ltmp3, $4  }
0x55: {  	[tilespmem:s20+$0x4F20] =	vst v2  }
0x56: {  	[tilespmem:s20+$0x4F00] =	vst v2  }
0x57: {  	[tilespmem:s20+$0x4F10] =	vst v2  }
0x58: {  	s20 =	sshra.s32 s22, $0x2  }
0x59: {  	[tilespmem:s20+$0x4F40] =	vst v2  }
0x5a: {  	[tilespmem:s20+$0x4F30] =	vst v2  }
0x5b: {  	[tilespmem:s20+$0x4F20] =	vst v2  }
0x5c: {  	[tilespmem:s20+$0x4F00] =	vst v2  }
0x5d: {  	[tilespmem:s20+$0x4F10] =	vst v2  }
0x5e: {  	_ =	strace $0x90000048  }
0x5f: {  	v9 =	vld [tilespmem:$0x7680];
	_ =	sdelay $0x2  }
0x60: {  	vm0 =	vcmask $0x704;
	_ =	sdelay $0x4  }
0x61: {  	[tilespmem:v9+s15+$0x0] =	vst.idx.msk $0x1, v3  }
0x62: {  	[tilespmem:v9+s15+$0x0] =	vst.idx.msk vm0, v3  }
0x63: {  	[tilespmem:v9+s15+$0x0] =	vst.idx.msk vm1, v3  }
0x64: {  	[tilespmem:v9+s15+$0x0] =	vst.idx.msk vm2, v3  }
0x65: {  	[tilespmem:v9+s15+$0x0] =	vst.idx.msk vm3, v3  }
0x66: {  	[tilespmem:v9+s15+$0x0] =	vst.idx.msk vm4, v3  }
0x67: {  	[tilespmem:v9+s15+$0x0] =	vst.idx.msk vm5, v3  }
0x68: {  	[tilespmem:v9+s15+$0x0] =	vst.idx.msk vm6, v3  }
0x69: {  	[tilespmem:v9+s15+$0x0] =	vst.idx.msk vm7, v3  }
0x6a: {  	[tilespmem:v9+s15+$0x0] =	vst.idx.msk vm8, v3  }
0x6b: {  	[tilespmem:v9+s15+$0x0] =	vst.idx.msk vm9, v3  }
0x6c: {  	[tilespmem:v9+s15+$0x0] =	vst.idx.msk vm10, v3  }
0x6d: {  	[tilespmem:v9+s15+$0x0] =	vst.idx.msk vm11, v3  }
0x6e: {  	[tilespmem:v9+s15+$0x0] =	vst.idx.msk vm12, v3  }
0x6f: {  	[tilespmem:v9+s15+$0x0] =	vst.idx.msk vm13, v3  }
0x70: {  	[tilespmem:v9+s15+$0x0] =	vst.idx.msk vm14, v3  }
0x71: {  	v9 =	vld [tilespmem:$0x7690];
	_ =	sdelay $0x7  }
0x72: {  	[tilespmem:v9+s15+$0x0] =	vst.idx.msk $0x1, v4  }
0x73: {  	[tilespmem:v9+s15+$0x0] =	vst.idx.msk vm0, v4  }
0x74: {  	[tilespmem:v9+s15+$0x0] =	vst.idx.msk vm1, v4  }
0x75: {  	[tilespmem:v9+s15+$0x0] =	vst.idx.msk vm2, v4  }
0x76: {  	[tilespmem:v9+s15+$0x0] =	vst.idx.msk vm3, v4  }
0x77: {  	[tilespmem:v9+s15+$0x0] =	vst.idx.msk vm4, v4  }
0x78: {  	[tilespmem:v9+s15+$0x0] =	vst.idx.msk vm5, v4  }
0x79: {  	[tilespmem:v9+s15+$0x0] =	vst.idx.msk vm6, v4  }
0x7a: {  	[tilespmem:v9+s15+$0x0] =	vst.idx.msk vm7, v4  }
0x7b: {  	[tilespmem:v9+s15+$0x0] =	vst.idx.msk vm8, v4  }
0x7c: {  	[tilespmem:v9+s15+$0x0] =	vst.idx.msk vm9, v4  }
0x7d: {  	[tilespmem:v9+s15+$0x0] =	vst.idx.msk vm10, v4  }
0x7e: {  	[tilespmem:v9+s15+$0x0] =	vst.idx.msk vm11, v4  }
0x7f: {  	[tilespmem:v9+s15+$0x0] =	vst.idx.msk vm12, v4  }
0x80: {  	[tilespmem:v9+s15+$0x0] =	vst.idx.msk vm13, v4  }
0x81: {  	[tilespmem:v9+s15+$0x0] =	vst.idx.msk vm14, v4  }
0x82: {  	v9 =	vld [tilespmem:$0x76A0];
	_ =	sdelay $0x7  }
0x83: {  	[tilespmem:v9+s15+$0x0] =	vst.idx.msk $0x1, v5  }
0x84: {  	[tilespmem:v9+s15+$0x0] =	vst.idx.msk vm0, v5  }
0x85: {  	[tilespmem:v9+s15+$0x0] =	vst.idx.msk vm1, v5  }
0x86: {  	[tilespmem:v9+s15+$0x0] =	vst.idx.msk vm2, v5  }
0x87: {  	[tilespmem:v9+s15+$0x0] =	vst.idx.msk vm3, v5  }
0x88: {  	[tilespmem:v9+s15+$0x0] =	vst.idx.msk vm4, v5  }
0x89: {  	[tilespmem:v9+s15+$0x0] =	vst.idx.msk vm5, v5  }
0x8a: {  	[tilespmem:v9+s15+$0x0] =	vst.idx.msk vm6, v5  }
0x8b: {  	[tilespmem:v9+s15+$0x0] =	vst.idx.msk vm7, v5  }
0x8c: {  	[tilespmem:v9+s15+$0x0] =	vst.idx.msk vm8, v5  }
0x8d: {  	[tilespmem:v9+s15+$0x0] =	vst.idx.msk vm9, v5  }
0x8e: {  	[tilespmem:v9+s15+$0x0] =	vst.idx.msk vm10, v5  }
0x8f: {  	[tilespmem:v9+s15+$0x0] =	vst.idx.msk vm11, v5  }
0x90: {  	[tilespmem:v9+s15+$0x0] =	vst.idx.msk vm12, v5  }
0x91: {  	[tilespmem:v9+s15+$0x0] =	vst.idx.msk vm13, v5  }
0x92: {  	[tilespmem:v9+s15+$0x0] =	vst.idx.msk vm14, v5  }
0x93: {  	v9 =	vld [tilespmem:$0x76B0];
	_ =	sdelay $0x7  }
0x94: {  	[tilespmem:v9+s15+$0x0] =	vst.idx.msk $0x1, v6  }
0x95: {  	[tilespmem:v9+s15+$0x0] =	vst.idx.msk vm0, v6  }
0x96: {  	[tilespmem:v9+s15+$0x0] =	vst.idx.msk vm1, v6  }
0x97: {  	[tilespmem:v9+s15+$0x0] =	vst.idx.msk vm2, v6  }
0x98: {  	[tilespmem:v9+s15+$0x0] =	vst.idx.msk vm3, v6  }
0x99: {  	[tilespmem:v9+s15+$0x0] =	vst.idx.msk vm4, v6  }
0x9a: {  	[tilespmem:v9+s15+$0x0] =	vst.idx.msk vm5, v6  }
0x9b: {  	[tilespmem:v9+s15+$0x0] =	vst.idx.msk vm6, v6  }
0x9c: {  	[tilespmem:v9+s15+$0x0] =	vst.idx.msk vm7, v6  }
0x9d: {  	[tilespmem:v9+s15+$0x0] =	vst.idx.msk vm8, v6  }
0x9e: {  	[tilespmem:v9+s15+$0x0] =	vst.idx.msk vm9, v6  }
0x9f: {  	[tilespmem:v9+s15+$0x0] =	vst.idx.msk vm10, v6  }
0xa0: {  	[tilespmem:v9+s15+$0x0] =	vst.idx.msk vm11, v6  }
0xa1: {  	[tilespmem:v9+s15+$0x0] =	vst.idx.msk vm12, v6  }
0xa2: {  	[tilespmem:v9+s15+$0x0] =	vst.idx.msk vm13, v6  }
0xa3: {  	[tilespmem:v9+s15+$0x0] =	vst.idx.msk vm14, v6  }
0xa4: {  	_ =	strace $0x80000049  }
0xa5: {  	_ =	swait.ge [sflag:s16], $0x4F00  }
0xa6: {  	[sflag:s16] =	ssyncset.done $0x0  }
0xa7: {  	s25 =	sadd.s32 $0x0, s12;
	s21 =	sadd.s32 $0xFFFFFFE0, s11;
	[sflag:s16] =	ssyncadd.s32 $0xFFFFB100  }
0xa8: {  	s22 =	sand.u32 $0x70, s25;
	s21 =	sand.u32 $0xFF00, s21;
	_ =	strace $0x90000049  }
0xa9: {  	s21 =	sor.u32 s22, s21;
	_ =	strace $0x8000004A  }
0xaa: {  	v9 =	vld [tilespmem:s21+$0x80];
	_ =	sdelay $0x7  }
0xab: {  	v9 =	vld.idx.msk [tilespmem:v9+s15+$0x0], $0xffff  }
0xac: {  	v10 =	vld [tilespmem:s21+$0x0];
	_ =	sdelay $0x3  }
0xad: {  	vm0 =	vgt.s32 v9, $0x0  }
0xae: {  	s20 =	sadd.s32 $0x10, s25;
	v10 =	vshll.u32 v10, $0x7;
	v9 =	vadd.s32 $0xFFFFFFFF, v9;
	v11 =	vmpcnt.ones.xlane vm0  }
0xaf: {  	s26 =	simm.s32 $0x0;
	s28 =	sand.u32 $0xFF00, s11;
	s20 =	sand.u32 $0x70, s20;
	v9 =	vor.u32 v10, v9  }
0xb0: {  	s20 =	sor.u32 s20, s28;
	[tilespmem:s26+$0x7700] =	vst.msk vm0, v9;
	(v2sf) =	vpush v11, $0x0  }
0xb1: {  	v9 =	vld [tilespmem:s20+$0x80];
	_ =	sdelay $0x7  }
0xb2: {  	v9 =	vld.idx.msk [tilespmem:v9+s15+$0x0], $0xffff  }
0xb3: {  	v10 =	vld [tilespmem:s20+$0x0];
	_ =	sdelay $0x3  }
0xb4: {  	s29 =	sadd.s32 $0x40, s11;
	vm0 =	vgt.s32 v9, $0x0  }
0xb5: {  	s30 =	sadd.s32 $0x20, s12;
	s31 =	sadd.s32 $0xFFFFFFE0, s29;
	v10 =	vshll.u32 v10, $0x7;
	v9 =	vadd.s32 $0xFFFFFFFF, v9;
	v11 =	vmpcnt.ones.xlane vm0;
	s23 =	spop (v2sf)  }
0xb6: {  	s24 =	sand.u32 $0x70, s30;
	s20 =	sand.u32 $0xFF00, s31;
	v9 =	vor.u32 v10, v9;
	s23 =	sadd.s32 $0x0, s23  }
0xb7: {  	s20 =	sor.u32 s24, s20;
	(v2sf) =	vpush v11, $0x0;
	[tilespmem:s23+$0x7700] =	vst.msk vm0, v9  }
0xb8: {  	v9 =	vld [tilespmem:s20+$0x80];
	_ =	sdelay $0x7  }
0xb9: {  	v10 =	vld.idx.msk [tilespmem:v9+s15+$0x0], $0xffff  }
0xba: {  	v9 =	vld [tilespmem:s20+$0x0];
	_ =	sdelay $0x3  }
0xbb: {  	s25 =	simm.s32 $0x40;
	s22 =	sadd.s32 $0x10, s30;
	s21 =	sadd.s32 $0x40, s29  }
0xbc: {  	s24 =	sand.u32 $0x70, s22;
	s20 =	sand.u32 $0xFF00, s29;
	vm0 =	vgt.s32 v10, $0x0;
	v9 =	vshll.u32 v9, $0x7;
	v10 =	vadd.s32 $0xFFFFFFFF, v10;
	s26 =	spop (v2sf)  }
.LBB2_6:
0xbd: {  	s28 =	sand.u32 $0xFF00, s21  }
0xbe: {  	v9 =	vor.u32 v9, v10;
	v10 =	vmpcnt.ones.xlane vm0;
	s23 =	sadd.s32 s23, s26;
	s26 =	smov.u32 s25;
	s22 =	sadd.s32 $0x20, s25  }
0xbf: {  	p1 =	sne.s32 s25, $0x26E0;
	s24 =	sor.u32 s24, s20;
	[tilespmem:s23+$0x7700] =	vst.msk vm0, v9;
	s20 =	smov.u32 s28  }
0xc0: {  	v9 =	vld [tilespmem:s24+$0x80];
	(v2sf) =	vpush v10, $0x0;
	_ =	sdelay $0x7  }
0xc1: {  	v9 =	vld.idx.msk [tilespmem:v9+s15+$0x0], $0xffff;
	_ =	sdelay $0x1  }
0xc2: {  	v10 =	vld [tilespmem:s24+$0x0];
	_ =	sdelay $0x3  }
0xc3: {  	vm0 =	vgt.s32 v9, $0x0;
	v9 =	vadd.s32 $0xFFFFFFFF, v9  }
0xc4: {  	s25 =	sadd.s32 $0xFFFFFFE0, s21;
	s24 =	sadd.s32 s26, s12;
	v11 =	vmpcnt.ones.xlane vm0;
	v10 =	vshll.u32 v10, $0x7;
	s26 =	spop (v2sf)  }
0xc5: {  	s25 =	sand.u32 $0xFF00, s25;
	s28 =	sand.u32 $0x70, s24;
	s23 =	sadd.s32 s23, s26;
	v9 =	vor.u32 v10, v9  }
0xc6: {  	s24 =	sadd.s32 $0x10, s24;
	s25 =	sor.u32 s28, s25;
	[tilespmem:s23+$0x7700] =	vst.msk vm0, v9;
	(v2sf) =	vpush v11, $0x0  }
0xc7: {  	s24 =	sand.u32 $0x70, s24;
	v9 =	vld [tilespmem:s25+$0x80];
	_ =	sdelay $0x7  }
0xc8: {  	v10 =	vld.idx.msk [tilespmem:v9+s15+$0x0], $0xffff  }
0xc9: {  	v9 =	vld [tilespmem:s25+$0x0]  }
.Ltmp4:
0xca: {  	(pc) =	sbr.rel @p1 .LBB2_6-.Ltmp4, $2  }
0xcb: {  	_ =	sdelay $0x2  }
0xcc: {  	s21 =	sadd.s32 $0x40, s21;
	s25 =	smov.u32 s22;
	vm0 =	vgt.s32 v10, $0x0;
	v10 =	vadd.s32 $0xFFFFFFFF, v10;
	v9 =	vshll.u32 v9, $0x7;
	s26 =	spop (v2sf)  }
0xcd: {  	v11 =	vmpcnt.ones.xlane vm0;
	_ =	sdelay $0x1  }
0xce: {  	v9 =	vor.u32 v9, v10;
	s21 =	sadd.s32 s23, s26;
	(v2sf) =	vpush v11, $0x0  }
0xcf: {  	s20 =	sor.u32 s24, s20;
	[tilespmem:s21+$0x7700] =	vst.msk vm0, v9  }
0xd0: {  	v9 =	vld [tilespmem:s20+$0x80];
	_ =	sdelay $0x6  }
0xd1: {  	v10 =	vld [tilespmem:s20+$0x0]  }
0xd2: {  	v9 =	vld.idx.msk [tilespmem:v9+s15+$0x0], $0xffff;
	_ =	sdelay $0x4  }
0xd3: {  	v10 =	vshll.u32 v10, $0x7;
	v11 =	vadd.s32 $0xFFFFFFFF, v9;
	s25 =	spop (v2sf)  }
0xd4: {  	vm0 =	vgt.s32 v9, $0x0;
	v9 =	vor.u32 v10, v11;
	s20 =	sadd.s32 s21, s25  }
0xd5: {  	[tilespmem:s20+$0x7700] =	vst.msk vm0, v9  }
0xd6: {  	v9 =	vld [tilespmem:s5+$0x4E80];
	_ =	sdelay $0x7  }
0xd7: {  	v9 =	vld.idx.msk [tilespmem:v9+s15+$0x0], $0xffff;
	_ =	sdelay $0x4  }
0xd8: {  	v10 =	vmpcnt.ones.xlane vm0;
	vm0 =	vgt.s32 v9, $0x0  }
0xd9: {  	v11 =	vmpcnt.ones.xlane vm0  }
0xda: {  	(v2sf) =	vpush v10, $0x0  }
0xdb: {  	(v2sf) =	vpush v11, $0x0;
	_ =	sdelay $0xd  }
0xdc: {  	s26 =	spop (v2sf)  }
0xdd: {  	v10 =	vld [tilespmem:s5+$0x4E00];
	s20 =	sadd.s32 s20, s26;
	s28 =	spop (v2sf)  }
0xde: {  	s21 =	sadd.s32 s20, s28  }
0xdf: {  	s22 =	sadd.s32 $0xF, s21  }
0xe0: {  	s29 =	sand.u32 $0xF, s22  }
0xe1: {  	s30 =	sshra.s32 s22, $0x1F;
	p2 =	slt.s32 s22, $0x1;
	p1 =	sne.s32 s29, $0x0  }
0xe2: {  	v10 =	vshll.u32 v10, $0x7;
	v9 =	vadd.s32 $0xFFFFFFFF, v9;
	s23 =	sshrl.u32 s30, $0x1C;
	p1 =	por !p2, !p1  }
0xe3: {  	v9 =	vor.u32 v10, v9;
	s31 =	sadd.s32 s23, s22;
	s22 =	simm.s32 $0x1;
	p1 =	por !p1, !p1  }
0xe4: {  	[tilespmem:s20+$0x7700] =	vst.msk vm0, v9;
	s20 =	sshra.s32 s31, $0x4;
	s22 =	simm.s32 @!p1 $0x0  }
0xe5: {  	_ =	strace $0x9000004A;
	[tilespmem:s21+$0x7700] =	vst v7;
	s21 =	ssub.s32 s20, s22  }
0xe6: {  	p1 =	slt.s32 s21, $0x1  }
.Ltmp5:
0xe7: {  	_ = 	snop;
	(pc) =	sbr.rel @p1 .LBB2_11-.Ltmp5, $3  }
0xe8: {  	_ =	sdelay $0x1  }
0xe9: {  	[bflag:$0x0] =	sbarrier.arrive $0xFFFF  }
0xea: {  	_ =	strace $0x8000004B;
	s20 =	simm.s32 $0x7700  }
0xeb: {  	v9 =	vld [tilespmem:s20+$0x0];
	_ =	sdelay $0x4  }
0xec: {  	v10 =	vshra.s32 v9, $0x7;
	_ =	sdelay $0x3  }
0xed: {  	v9 =	vand.u32 $0x7F, v9  }
0xee: {  	[tilespmem:s17], [sflag:$0x1] =	stream.indirect_vreg.gather [hbm4b:s0+s4], $0x80, v10, vm15, $0x2000b8;
	[tilespmem:$0x105C0] =	vst v63  }
0xef: {  	_ =	swait.ge [sflag:s16], $0x800  }
0xf0: {  	[sflag:s16] =	ssyncset.done $0x0  }
0xf1: {  	p1 =	sne.s32 s21, $0x1;
	[sflag:s16] =	ssyncadd.s32 $0xFFFFF800  }
0xf2: {  	[spmem:s3] =	stream.indirect_vreg.scatter.add.f32 [tilespmem:s17], [sflag:$0x2], $0x80, v9, vm15, $0x2000b8;
	v9 =	vshll.u32 v9, $0x7;
	[tilespmem:$0x105C0] =	vst v63  }
.Ltmp6:
0xf3: {  	v9 =	vor.u32 v0, v9;
	(pc) =	sbr.rel @!p1 .LBB2_10-.Ltmp6, $4  }
0xf4: {  	_ = 	snop  }
0xf5: {  	_ =	swait.ge [sflag:s14], $0x800  }
0xf6: {  	[sflag:s14] =	ssyncset.done $0x0  }
0xf7: {  	s21 =	sadd.s32 $0xFFFFFFFF, s21;
	[sflag:s14] =	ssyncadd.s32 $0xFFFFF800  }
.LBB2_9:
0xf8: {  	p1 =	sne.s32 s21, $0x1;
	s21 =	sadd.s32 $0xFFFFFFFF, s21;
	[tilespmem:v9+s18+$0x0] =	vst.idx.add.f32.msk $0xffff, v8;
	s20 =	sadd.s32 $0x10, s20  }
0xf9: {  	v9 =	vld [tilespmem:s20+$0x0];
	_ =	sdelay $0x4  }
0xfa: {  	v10 =	vshra.s32 v9, $0x7;
	_ =	sdelay $0x3  }
0xfb: {  	v11 =	vand.u32 $0x7F, v9  }
0xfc: {  	v9 =	vshll.u32 v11, $0x7;
	[tilespmem:s17], [sflag:$0x1] =	stream.indirect_vreg.gather [hbm4b:s0+s4], $0x80, v10, vm15, $0x2000b8;
	[tilespmem:$0x105C0] =	vst v63  }
0xfd: {  	_ =	swait.ge [sflag:s16], $0x800  }
0xfe: {  	[sflag:s16] =	ssyncset.done $0x0  }
.Ltmp7:
0xff: {  	v9 =	vor.u32 v0, v9;
	[sflag:s16] =	ssyncadd.s32 $0xFFFFF800;
	(pc) =	sbr.rel @p1 .LBB2_9-.Ltmp7, $4  }
0x100: {  	[spmem:s3] =	stream.indirect_vreg.scatter.add.f32 [tilespmem:s17], [sflag:$0x2], $0x80, v11, vm15, $0x2000b8;
	[tilespmem:$0x105C0] =	vst v63  }
0x101: {  	_ =	swait.ge [sflag:s14], $0x800  }
0x102: {  	[sflag:s14] =	ssyncset.done $0x0  }
0x103: {  	[sflag:s14] =	ssyncadd.s32 $0xFFFFF800  }
.Ltmp8:
0x104: {  	_ = 	snop;
	(pc) =	sbr.rel .LBB2_10-.Ltmp8, $1  }
0x105: {  	_ =	sdelay $0x3  }
.LBB2_12:
0x106: {  	_ =	sfence.sel $0x180000  }
0x107: {  	[bflag:$0x0] =	sbarrier.arrive $0xFFFF  }
0x108: {  	_ =	strace $0x90000047  }
0x109: {  	s0 =	sadd.s32 @!p0 $0x100000, s1;
	[bflag:$0x2] =	sbarrier.arrive $0xFFFF  }
0x10a: {  	[sflag:s0] =	ssyncadd.tile.s32 @!p0 $0x1;
	_ =	shalt  }
.Lfunc_end2:
_tile_overlayer_lowered:
.L_overlay_start_2:
0x10b: {  	(tag) =	ssettag $0x2  }
0x10c: {  	s0 =	rddreg [dreg:$0x0];
	s2 =	stileid.u32  }
0x10d: {  	s1 =	rddreg [dreg:$0x1];
	p0 =	sne.s32 s2, $0x0  }
0x10e: {  	s3 =	rddreg [dreg:$0x2];
	[bflag:$0x3] =	sbarrier.arrive $0xFFFF;
	s2 =	simm.s32 @!p0 $0x1C02  }
0x10f: {  	[timem:s3], [sflag:s2] =	dma.local @!p0 [hbm:s0], s1  }
0x110: {  	s0 =	simm.s32 @!p0 $0x2  }
0x111: {  	_ =	swait.ge @!p0 [sflag:s0], s1  }
0x112: {  	s1 =	ssub.s32 @!p0 $0x0, s1;
	[sflag:s0] =	ssyncset.done @!p0 $0x0  }
0x113: {  	[sflag:s0] =	ssyncadd.s32 @!p0 s1  }
0x114: {  	[bflag:$0x3] =	sbarrier.arrive $0xFFFF  }
0x115: {  	_ =	shalt  }

</sc_bundles>
